<compile_context>
chip_gen: v7x
topology: tpu7x:2x2x1
jax: 0.10.2.dev20260603
libtpu: 0.0.44.dev20260713+nightly
codegen_flags: <defaults>
</compile_context>

<pallas_src>
import jax
import jax.numpy as jnp
from jax import lax
from jax.experimental import pallas as pl
from jax.experimental.pallas import tpu as pltpu
from jax.experimental.pallas import tpu_sc as plsc
from jax._src.pallas import mpmd as _mpmd

NUM_ASSETS = 10000
NUM_PORTFOLIOS = 4096
N_PAIRS = 204800

_PADW = 10240
_FLAT = NUM_PORTFOLIOS * _PADW

_NC = 2
_NS = 16
_NW = _NC * _NS
_ROWS_W = NUM_PORTFOLIOS // _NW
_LANES = 16

_STAGE = 8208
_STAGE_ALLOC = _STAGE + 16
_REFILL_AT = _STAGE - 32
_UCAP = 512

_TC_ROWS = 64
_TC_BLK = _TC_ROWS * _PADW


def _searchsorted(pi_hbm, probe_v, target):

    def step(_, carry):
        lo, hi = carry
        mid = lax.div(lo + hi, 2)
        base = pl.multiple_of(
            jnp.minimum(mid & ~jnp.int32(7), jnp.int32(N_PAIRS - 16)), 8)
        pltpu.sync_copy(pi_hbm.at[pl.ds(base, 16)], probe_v)
        lane = jnp.full((_LANES,), mid - base, jnp.int32)
        val = plsc.load_gather(probe_v, [lane])[0]
        pred = val < target
        return (jnp.where(pred, mid + 1, lo), jnp.where(pred, hi, mid))

    lo, _ = lax.fori_loop(0, 18, step, (jnp.int32(0), jnp.int32(N_PAIRS)))
    return lo


def _merged_body(ai_hbm, pi_hbm, prior_hbm, out_hbm,
                 prior_v, buf0, buf1, stage_a, stage_p, undo0, undo1,
                 probe_v, junk_v, sem):
    wid = lax.axis_index("s") * _NC + lax.axis_index("c")
    row0 = wid * _ROWS_W

    pltpu.sync_copy(prior_hbm, prior_v)
    def prime(i, _):
        v = prior_v[pl.ds(i * _LANES, _LANES)]
        buf0[pl.ds(i * _LANES, _LANES)] = v
        buf1[pl.ds(i * _LANES, _LANES)] = v
        return 0
    lax.fori_loop(0, NUM_ASSETS // _LANES, prime, 0)

    s_w = _searchsorted(pi_hbm, probe_v, row0)
    e_w = _searchsorted(pi_hbm, probe_v, row0 + _ROWS_W)

    def refill(gpos):
        w0 = pl.multiple_of(
            jnp.clip(gpos & ~jnp.int32(7), 0, N_PAIRS - _STAGE), 8)
        pltpu.sync_copy(ai_hbm.at[pl.ds(w0, _STAGE)],
                        stage_a.at[pl.ds(0, _STAGE)])
        pltpu.sync_copy(pi_hbm.at[pl.ds(w0, _STAGE)],
                        stage_p.at[pl.ds(0, _STAGE)])
        return w0

    w0_init = refill(s_w)
    iota16 = lax.iota(jnp.int32, _LANES)

    pltpu.make_async_copy(
        out_hbm.at[pl.ds(0, NUM_ASSETS)], junk_v, sem).start()
    pltpu.make_async_copy(
        out_hbm.at[pl.ds(0, NUM_ASSETS)], junk_v, sem).start()

    def row_copy(buf, row):
        return pltpu.make_async_copy(
            buf,
            out_hbm.at[pl.ds(pl.multiple_of(row * _PADW, 8), NUM_ASSETS)],
            sem)

    def row_work(buf, undo, row, ucnt, w0, widx):
        row_copy(buf, jnp.maximum(row - 2, 0)).wait()

        @pl.when(ucnt <= _UCAP)
        def _():
            def undo_step(k, _):
                a16 = undo[pl.ds(pl.multiple_of(k * _LANES, 8), _LANES)]
                pv = plsc.load_gather(prior_v, [a16])
                plsc.store_scatter(buf, [a16], pv)
                return 0
            lax.fori_loop(0, ucnt, undo_step, 0)

        @pl.when(ucnt > _UCAP)
        def _():
            def rebuild(i, _):
                buf[pl.ds(i * _LANES, _LANES)] = (
                    prior_v[pl.ds(i * _LANES, _LANES)])
                return 0
            lax.fori_loop(0, NUM_ASSETS // _LANES, rebuild, 0)

        def cond(c):
            return jnp.logical_not(c[3])

        def chunk(c):
            w0c, wx, uc, _ = c
            need = jnp.logical_and(wx > _REFILL_AT,
                                   w0c < N_PAIRS - _STAGE)

            def do_refill(args):
                w0i, wxi = args
                w0n = refill(w0i + wxi)
                return (w0n, w0i + wxi - w0n)

            w0c, wx = lax.cond(need, do_refill, lambda a: a, (w0c, wx))

            base = pl.multiple_of(wx & ~jnp.int32(7), 8)
            sh = wx - base
            p16 = stage_p[pl.ds(base, _LANES)]
            a16 = stage_a[pl.ds(base, _LANES)]
            rem = e_w - (w0c + wx)
            m = jnp.logical_and(
                p16 == row,
                jnp.logical_and(iota16 >= sh, iota16 < sh + rem))
            n = jnp.sum(m.astype(jnp.int32))
            pv = plsc.load_gather(prior_v, [a16])
            plsc.store_scatter(buf, [a16], pv + 1.0, mask=m)

            @pl.when(jnp.logical_and(uc < _UCAP, n > 0))
            def _():
                undo[pl.ds(pl.multiple_of(uc * _LANES, 8), _LANES)] = a16

            uc = jnp.where(n > 0, uc + 1, uc)
            return (w0c, wx + n, uc, n < _LANES - sh)

        w0, widx, ucnt, _ = lax.while_loop(
            cond, chunk, (w0, widx, jnp.int32(0), jnp.bool_(False)))

        row_copy(buf, row).start()
        return ucnt, w0, widx

    def pair_step(j, carry):
        w0, widx, u0, u1 = carry
        row = row0 + 2 * j
        u0, w0, widx = row_work(buf0, undo0, row, u0, w0, widx)
        u1, w0, widx = row_work(buf1, undo1, row + 1, u1, w0, widx)
        return (w0, widx, u0, u1)

    lax.fori_loop(
        0, _ROWS_W // 2, pair_step,
        (w0_init, s_w - w0_init, jnp.int32(0), jnp.int32(0)))

    row_copy(buf0, row0 + _ROWS_W - 2).wait()
    row_copy(buf1, row0 + _ROWS_W - 1).wait()


def _repack_body(flat_ref, out_ref):
    x = flat_ref[...].reshape(_TC_ROWS, _PADW)
    out_ref[...] = x[:, :NUM_ASSETS]


def kernel(asset_indices, portfolio_indices, asset_prior_evidence):
    mesh = plsc.VectorSubcoreMesh(core_axis_name="c", subcore_axis_name="s")
    merged_fn = _mpmd._mpmd_map(
        [(mesh, _merged_body)],
        out_types=jax.ShapeDtypeStruct((_FLAT,), jnp.float32),
        compiler_params=pltpu.CompilerParams(needs_layout_passes=False),
        scratch_types=[
            pltpu.VMEM((NUM_ASSETS,), jnp.float32),
            pltpu.VMEM((NUM_ASSETS,), jnp.float32),
            pltpu.VMEM((NUM_ASSETS,), jnp.float32),
            pltpu.VMEM((_STAGE_ALLOC,), jnp.int32),
            pltpu.VMEM((_STAGE_ALLOC,), jnp.int32),
            pltpu.VMEM((_UCAP * _LANES,), jnp.int32),
            pltpu.VMEM((_UCAP * _LANES,), jnp.int32),
            pltpu.VMEM((16,), jnp.int32),
            pltpu.VMEM((NUM_ASSETS,), jnp.float32),
            pltpu.SemaphoreType.DMA,
        ],
    )
    flat = merged_fn(asset_indices, portfolio_indices, asset_prior_evidence)

    return pl.pallas_call(
        _repack_body,
        grid=(NUM_PORTFOLIOS // _TC_ROWS,),
        in_specs=[pl.BlockSpec((_TC_BLK,), lambda i: (i,))],
        out_specs=pl.BlockSpec((_TC_ROWS, NUM_ASSETS), lambda i: (i, 0)),
        out_shape=jax.ShapeDtypeStruct(
            (NUM_PORTFOLIOS, NUM_ASSETS), jnp.float32),
    )(flat)

# --- scband reference (transcript-rebuilt; emitter-appended) ---
"""Pipeline reference for scband-base-asset-recommender-20289425506715 (READ-ONLY COPY).

The authoritative reference and input builder live on the scoring server;
editing this copy changes nothing except your own understanding.
"""

import jax, jax.numpy as jnp
import numpy as np

NUM_ASSETS = 10000
NUM_PORTFOLIOS = 4096
N_PAIRS = 204800


def setup_inputs(seed: int = 0) -> dict:
    key = jax.random.key(seed)
    k1, k2, k3 = jax.random.split(key, 3)
    asset_indices = jax.random.randint(k1, (N_PAIRS,), 0, NUM_ASSETS, dtype=jnp.int32)
    portfolio_indices = jnp.sort(jax.random.randint(k2, (N_PAIRS,), 0, NUM_PORTFOLIOS, dtype=jnp.int32))
    # buffer: asset_prior_evidence = log(p / (1 - p)) with p = counts / counts.sum()
    asset_counts = jax.random.uniform(k3, (NUM_ASSETS,), minval=1.0, maxval=100.0, dtype=jnp.float32)
    asset_priors = asset_counts / asset_counts.sum()
    asset_prior_evidence = jnp.log(asset_priors / (1.0 - asset_priors))
    return {
        "asset_indices": asset_indices,
        "portfolio_indices": portfolio_indices,
        "asset_prior_evidence": asset_prior_evidence,
    }


def reference(asset_indices, portfolio_indices, asset_prior_evidence):
    # Faithful translation of the scatter-memory core of forward_masking:
    #   target = zeros(num_portfolios, num_assets)
    #   target[portfolio_indices, asset_indices] = 1.0   (scatter-overwrite)
    #   scores = scores + asset_prior_evidence.unsqueeze(0)  (broadcast add of prior buffer)
    target = jnp.zeros((NUM_PORTFOLIOS, NUM_ASSETS), dtype=jnp.float32)
    target = target.at[portfolio_indices, asset_indices].set(1.0)
    scores = target + asset_prior_evidence[None, :]
    return scores

if __name__ == "__main__":
    import jax
    _d = setup_inputs()
    print(jax.jit(kernel)(*tuple(_d.values())))

</pallas_src>

<mosaic_0001>
#map = affine_map<(d0, d1) -> (0)>
module attributes {stable_mosaic.version = 14 : i64} {
  func.func @_merged_body(%arg0: i32, %arg1: i32, %arg2: memref<204800xi32, #tpu.memory_space<hbm>>, %arg3: memref<204800xi32, #tpu.memory_space<hbm>>, %arg4: memref<10000xf32, #tpu.memory_space<hbm>>, %arg5: memref<41943040xf32, #tpu.memory_space<hbm>>, %arg6: memref<10000xf32, #tpu.memory_space<vmem>>, %arg7: memref<10000xf32, #tpu.memory_space<vmem>>, %arg8: memref<10000xf32, #tpu.memory_space<vmem>>, %arg9: memref<8224xi32, #tpu.memory_space<vmem>>, %arg10: memref<8224xi32, #tpu.memory_space<vmem>>, %arg11: memref<8192xi32, #tpu.memory_space<vmem>>, %arg12: memref<8192xi32, #tpu.memory_space<vmem>>, %arg13: memref<16xi32, #tpu.memory_space<vmem>>, %arg14: memref<10000xf32, #tpu.memory_space<vmem>>, %arg15: memref<!tpu.dma_semaphore, #tpu.memory_space<semaphore_mem>>) attributes {dimension_semantics = [#tpu.dimension_semantics<core_parallel>, #tpu.dimension_semantics<subcore_parallel>], iteration_bounds = array<i64: 2, 16>, scalar_prefetch = 0 : i64, scratch_operands = 10 : i64, tpu.core_type = #tpu.core_type<sc_vector_subcore>, window_params = [{transform_indices = #map}, {transform_indices = #map}, {transform_indices = #map}, {transform_indices = #map}]} {
    %mul3A = arith.constant 2 : i32
    %mul3A_0 = arith.muli %arg1, %mul3A : i32
    %add3A = arith.addi %mul3A_0, %arg0 : i32
    %mul3A_1 = arith.constant 128 : i32
    %mul3A_2 = arith.muli %add3A, %mul3A_1 : i32
    "tpu.region"() ({
      %run_scoped3A = tpu.sem_alloc : memref<!tpu.dma_semaphore, #tpu.memory_space<semaphore_mem>>
      tpu.enqueue_dma source(%arg4 : memref<10000xf32, #tpu.memory_space<hbm>>) target(%arg6 : memref<10000xf32, #tpu.memory_space<vmem>>) target_semaphore(%run_scoped3A : memref<!tpu.dma_semaphore, #tpu.memory_space<semaphore_mem>>)
      tpu.wait_dma2 semaphore(%run_scoped3A : memref<!tpu.dma_semaphore, #tpu.memory_space<semaphore_mem>>) src(%arg4 : memref<10000xf32, #tpu.memory_space<hbm>>) dst(%arg6 : memref<10000xf32, #tpu.memory_space<vmem>>)
      tpu.yield
    }) : () -> ()
    %scan3A = arith.constant 0 : i32
    %scan3A_3 = arith.constant 0 : i32
    %scan3A_4 = arith.constant 625 : i32
    %scan3A_5 = arith.addi %scan3A_3, %scan3A_4 : i32
    %scan3A_6 = arith.constant 1 : i32
    %scan3A_7 = scf.for %scan3A_62 = %scan3A_3 to %scan3A_5 step %scan3A_6 iter_args(%scan3A_63 = %scan3A) -> (i32)  : i32 {
      %mul3A_64 = arith.constant 16 : i32
      %mul3A_65 = arith.muli %scan3A_62, %mul3A_64 : i32
      %get3A = arith.index_cast %mul3A_65 : i32 to index
      %get3A_66 = tpu.vector_load %arg6[%get3A] {strides = array<i32>} : memref<10000xf32, #tpu.memory_space<vmem>>, vector<16xf32>,
      %mul3A_67 = arith.constant 16 : i32
      %mul3A_68 = arith.muli %scan3A_62, %mul3A_67 : i32
      %swap3A = arith.index_cast %mul3A_68 : i32 to index
      %swap3A_69 = tpu.vector_load %arg7[%swap3A] {strides = array<i32>} : memref<10000xf32, #tpu.memory_space<vmem>>, vector<16xf32>,
      tpu.vector_store %arg7[%swap3A], %get3A_66 {strides = array<i32>} : memref<10000xf32, #tpu.memory_space<vmem>>, vector<16xf32>,
      %mul3A_70 = arith.constant 16 : i32
      %mul3A_71 = arith.muli %scan3A_62, %mul3A_70 : i32
      %swap3A_72 = arith.index_cast %mul3A_71 : i32 to index
      %swap3A_73 = tpu.vector_load %arg8[%swap3A_72] {strides = array<i32>} : memref<10000xf32, #tpu.memory_space<vmem>>, vector<16xf32>,
      tpu.vector_store %arg8[%swap3A_72], %get3A_66 {strides = array<i32>} : memref<10000xf32, #tpu.memory_space<vmem>>, vector<16xf32>,
      %scan3A_74 = arith.constant 0 : i32
      scf.yield %scan3A_74 : i32
    }
    %scan3A_8 = arith.constant 625 : i32
    %scan3A_9 = arith.constant 0 : i32
    %scan3A_10 = arith.constant 204800 : i32
    %scan3A_11 = arith.constant 0 : i32
    %scan3A_12 = arith.constant 18 : i32
    %scan3A_13 = arith.addi %scan3A_11, %scan3A_12 : i32
    %scan3A_14 = arith.constant 1 : i32
    %scan3A_15:2 = scf.for %scan3A_62 = %scan3A_11 to %scan3A_13 step %scan3A_14 iter_args(%scan3A_63 = %scan3A_9, %scan3A_64 = %scan3A_10) -> (i32, i32)  : i32 {
      %add3A_65 = arith.addi %scan3A_63, %scan3A_64 : i32
      %div3A = arith.constant 2 : i32
      %div3A_66 = arith.divsi %add3A_65, %div3A : i32
      %not3A_67 = arith.constant 7 : i32
      %not3A_68 = arith.constant -1 : i32
      %not3A_69 = arith.xori %not3A_67, %not3A_68 : i32
      %and3A_70 = arith.andi %div3A_66, %not3A_69 : i32
      %min3A_71 = arith.constant 204784 : i32
      %min3A_72 = arith.minsi %and3A_70, %min3A_71 : i32
      %multiple_of3A_73 = tpu.assume_multiple %min3A_72, 8 : i32
      "tpu.region"() ({
        %run_scoped3A = tpu.sem_alloc : memref<!tpu.dma_semaphore, #tpu.memory_space<semaphore_mem>>
        %dma_start3A_78 = tpu.memref_slice %arg3[%multiple_of3A_73] : memref<204800xi32, #tpu.memory_space<hbm>> -> memref<16xi32, #tpu.memory_space<hbm>>
        %dma_start3A_79 = tpu.memref_slice %arg3[%multiple_of3A_73] : memref<204800xi32, #tpu.memory_space<hbm>> -> memref<16xi32, #tpu.memory_space<hbm>>
        tpu.enqueue_dma source(%dma_start3A_79 : memref<16xi32, #tpu.memory_space<hbm>>) target(%arg13 : memref<16xi32, #tpu.memory_space<vmem>>) target_semaphore(%run_scoped3A : memref<!tpu.dma_semaphore, #tpu.memory_space<semaphore_mem>>)
        %dma_wait3A_80 = tpu.memref_slice %arg3[%multiple_of3A_73] : memref<204800xi32, #tpu.memory_space<hbm>> -> memref<16xi32, #tpu.memory_space<hbm>>
        %dma_wait3A_81 = tpu.memref_slice %arg3[%multiple_of3A_73] : memref<204800xi32, #tpu.memory_space<hbm>> -> memref<16xi32, #tpu.memory_space<hbm>>
        tpu.wait_dma2 semaphore(%run_scoped3A : memref<!tpu.dma_semaphore, #tpu.memory_space<semaphore_mem>>) src(%dma_wait3A_81 : memref<16xi32, #tpu.memory_space<hbm>>) dst(%arg13 : memref<16xi32, #tpu.memory_space<vmem>>)
        tpu.yield
      }) : () -> ()
      %sub3A_74 = arith.subi %div3A_66, %multiple_of3A_73 : i32
      %broadcast_in_dim3A = vector.broadcast %sub3A_74 : i32 to vector<16xi32>
      %gather3A = tpu.vector_load_idx %arg13[%broadcast_in_dim3A] : memref<16xi32, #tpu.memory_space<vmem>>[vector<16xi32>], vector<16xi32>,
      %slice3A = vector.extract_strided_slice %gather3A {offsets = [0], sizes = [1], strides = [1]} : vector<16xi32> to vector<1xi32>
      %squeeze3A = vector.extract %slice3A[0] : i32 from vector<1xi32>
      %lt3A = arith.cmpi slt, %squeeze3A, %mul3A_2 : i32
      %add3A_75 = arith.constant 1 : i32
      %add3A_76 = arith.addi %div3A_66, %add3A_75 : i32
      %select_n3A = arith.select %lt3A, %add3A_76, %scan3A_63 : i32
      %select_n3A_77 = arith.select %lt3A, %scan3A_64, %div3A_66 : i32
      scf.yield %select_n3A, %select_n3A_77 : i32, i32
    }
    %scan3A_16 = arith.constant 18 : i32
    %add3A_17 = arith.constant 128 : i32
    %add3A_18 = arith.addi %mul3A_2, %add3A_17 : i32
    %scan3A_19 = arith.constant 0 : i32
    %scan3A_20 = arith.constant 204800 : i32
    %scan3A_21 = arith.constant 0 : i32
    %scan3A_22 = arith.constant 18 : i32
    %scan3A_23 = arith.addi %scan3A_21, %scan3A_22 : i32
    %scan3A_24 = arith.constant 1 : i32
    %scan3A_25:2 = scf.for %scan3A_62 = %scan3A_21 to %scan3A_23 step %scan3A_24 iter_args(%scan3A_63 = %scan3A_19, %scan3A_64 = %scan3A_20) -> (i32, i32)  : i32 {
      %add3A_65 = arith.addi %scan3A_63, %scan3A_64 : i32
      %div3A = arith.constant 2 : i32
      %div3A_66 = arith.divsi %add3A_65, %div3A : i32
      %not3A_67 = arith.constant 7 : i32
      %not3A_68 = arith.constant -1 : i32
      %not3A_69 = arith.xori %not3A_67, %not3A_68 : i32
      %and3A_70 = arith.andi %div3A_66, %not3A_69 : i32
      %min3A_71 = arith.constant 204784 : i32
      %min3A_72 = arith.minsi %and3A_70, %min3A_71 : i32
      %multiple_of3A_73 = tpu.assume_multiple %min3A_72, 8 : i32
      "tpu.region"() ({
        %run_scoped3A = tpu.sem_alloc : memref<!tpu.dma_semaphore, #tpu.memory_space<semaphore_mem>>
        %dma_start3A_78 = tpu.memref_slice %arg3[%multiple_of3A_73] : memref<204800xi32, #tpu.memory_space<hbm>> -> memref<16xi32, #tpu.memory_space<hbm>>
        %dma_start3A_79 = tpu.memref_slice %arg3[%multiple_of3A_73] : memref<204800xi32, #tpu.memory_space<hbm>> -> memref<16xi32, #tpu.memory_space<hbm>>
        tpu.enqueue_dma source(%dma_start3A_79 : memref<16xi32, #tpu.memory_space<hbm>>) target(%arg13 : memref<16xi32, #tpu.memory_space<vmem>>) target_semaphore(%run_scoped3A : memref<!tpu.dma_semaphore, #tpu.memory_space<semaphore_mem>>)
        %dma_wait3A_80 = tpu.memref_slice %arg3[%multiple_of3A_73] : memref<204800xi32, #tpu.memory_space<hbm>> -> memref<16xi32, #tpu.memory_space<hbm>>
        %dma_wait3A_81 = tpu.memref_slice %arg3[%multiple_of3A_73] : memref<204800xi32, #tpu.memory_space<hbm>> -> memref<16xi32, #tpu.memory_space<hbm>>
        tpu.wait_dma2 semaphore(%run_scoped3A : memref<!tpu.dma_semaphore, #tpu.memory_space<semaphore_mem>>) src(%dma_wait3A_81 : memref<16xi32, #tpu.memory_space<hbm>>) dst(%arg13 : memref<16xi32, #tpu.memory_space<vmem>>)
        tpu.yield
      }) : () -> ()
      %sub3A_74 = arith.subi %div3A_66, %multiple_of3A_73 : i32
      %broadcast_in_dim3A = vector.broadcast %sub3A_74 : i32 to vector<16xi32>
      %gather3A = tpu.vector_load_idx %arg13[%broadcast_in_dim3A] : memref<16xi32, #tpu.memory_space<vmem>>[vector<16xi32>], vector<16xi32>,
      %slice3A = vector.extract_strided_slice %gather3A {offsets = [0], sizes = [1], strides = [1]} : vector<16xi32> to vector<1xi32>
      %squeeze3A = vector.extract %slice3A[0] : i32 from vector<1xi32>
      %lt3A = arith.cmpi slt, %squeeze3A, %add3A_18 : i32
      %add3A_75 = arith.constant 1 : i32
      %add3A_76 = arith.addi %div3A_66, %add3A_75 : i32
      %select_n3A = arith.select %lt3A, %add3A_76, %scan3A_63 : i32
      %select_n3A_77 = arith.select %lt3A, %scan3A_64, %div3A_66 : i32
      scf.yield %select_n3A, %select_n3A_77 : i32, i32
    }
    %scan3A_26 = arith.constant 18 : i32
    %not3A = arith.constant 7 : i32
    %not3A_27 = arith.constant -1 : i32
    %not3A_28 = arith.xori %not3A, %not3A_27 : i32
    %and3A = arith.andi %scan3A_15#0, %not3A_28 : i32
    %jit3A = arith.constant 0 : i32
    %jit3A_29 = arith.constant 196592 : i32
    %max3A = arith.maxsi %jit3A, %and3A : i32
    %min3A = arith.minsi %jit3A_29, %max3A : i32
    %multiple_of3A = tpu.assume_multiple %min3A, 8 : i32
    "tpu.region"() ({
      %run_scoped3A = tpu.sem_alloc : memref<!tpu.dma_semaphore, #tpu.memory_space<semaphore_mem>>
      %dma_start3A_62 = arith.constant 0 : i32
      %dma_start3A_63 = tpu.memref_slice %arg9[%dma_start3A_62] : memref<8224xi32, #tpu.memory_space<vmem>> -> memref<8208xi32, #tpu.memory_space<vmem>>
      %dma_start3A_64 = tpu.memref_slice %arg2[%multiple_of3A] : memref<204800xi32, #tpu.memory_space<hbm>> -> memref<8208xi32, #tpu.memory_space<hbm>>
      %dma_start3A_65 = arith.constant 0 : i32
      %dma_start3A_66 = tpu.memref_slice %arg9[%dma_start3A_65] : memref<8224xi32, #tpu.memory_space<vmem>> -> memref<8208xi32, #tpu.memory_space<vmem>>
      %dma_start3A_67 = tpu.memref_slice %arg2[%multiple_of3A] : memref<204800xi32, #tpu.memory_space<hbm>> -> memref<8208xi32, #tpu.memory_space<hbm>>
      tpu.enqueue_dma source(%dma_start3A_67 : memref<8208xi32, #tpu.memory_space<hbm>>) target(%dma_start3A_66 : memref<8208xi32, #tpu.memory_space<vmem>>) target_semaphore(%run_scoped3A : memref<!tpu.dma_semaphore, #tpu.memory_space<semaphore_mem>>)
      %dma_wait3A_68 = arith.constant 0 : i32
      %dma_wait3A_69 = tpu.memref_slice %arg9[%dma_wait3A_68] : memref<8224xi32, #tpu.memory_space<vmem>> -> memref<8208xi32, #tpu.memory_space<vmem>>
      %dma_wait3A_70 = tpu.memref_slice %arg2[%multiple_of3A] : memref<204800xi32, #tpu.memory_space<hbm>> -> memref<8208xi32, #tpu.memory_space<hbm>>
      %dma_wait3A_71 = arith.constant 0 : i32
      %dma_wait3A_72 = tpu.memref_slice %arg9[%dma_wait3A_71] : memref<8224xi32, #tpu.memory_space<vmem>> -> memref<8208xi32, #tpu.memory_space<vmem>>
      %dma_wait3A_73 = tpu.memref_slice %arg2[%multiple_of3A] : memref<204800xi32, #tpu.memory_space<hbm>> -> memref<8208xi32, #tpu.memory_space<hbm>>
      tpu.wait_dma2 semaphore(%run_scoped3A : memref<!tpu.dma_semaphore, #tpu.memory_space<semaphore_mem>>) src(%dma_wait3A_73 : memref<8208xi32, #tpu.memory_space<hbm>>) dst(%dma_wait3A_72 : memref<8208xi32, #tpu.memory_space<vmem>>)
      tpu.yield
    }) : () -> ()
    "tpu.region"() ({
      %run_scoped3A = tpu.sem_alloc : memref<!tpu.dma_semaphore, #tpu.memory_space<semaphore_mem>>
      %dma_start3A_62 = arith.constant 0 : i32
      %dma_start3A_63 = tpu.memref_slice %arg10[%dma_start3A_62] : memref<8224xi32, #tpu.memory_space<vmem>> -> memref<8208xi32, #tpu.memory_space<vmem>>
      %dma_start3A_64 = tpu.memref_slice %arg3[%multiple_of3A] : memref<204800xi32, #tpu.memory_space<hbm>> -> memref<8208xi32, #tpu.memory_space<hbm>>
      %dma_start3A_65 = arith.constant 0 : i32
      %dma_start3A_66 = tpu.memref_slice %arg10[%dma_start3A_65] : memref<8224xi32, #tpu.memory_space<vmem>> -> memref<8208xi32, #tpu.memory_space<vmem>>
      %dma_start3A_67 = tpu.memref_slice %arg3[%multiple_of3A] : memref<204800xi32, #tpu.memory_space<hbm>> -> memref<8208xi32, #tpu.memory_space<hbm>>
      tpu.enqueue_dma source(%dma_start3A_67 : memref<8208xi32, #tpu.memory_space<hbm>>) target(%dma_start3A_66 : memref<8208xi32, #tpu.memory_space<vmem>>) target_semaphore(%run_scoped3A : memref<!tpu.dma_semaphore, #tpu.memory_space<semaphore_mem>>)
      %dma_wait3A_68 = arith.constant 0 : i32
      %dma_wait3A_69 = tpu.memref_slice %arg10[%dma_wait3A_68] : memref<8224xi32, #tpu.memory_space<vmem>> -> memref<8208xi32, #tpu.memory_space<vmem>>
      %dma_wait3A_70 = tpu.memref_slice %arg3[%multiple_of3A] : memref<204800xi32, #tpu.memory_space<hbm>> -> memref<8208xi32, #tpu.memory_space<hbm>>
      %dma_wait3A_71 = arith.constant 0 : i32
      %dma_wait3A_72 = tpu.memref_slice %arg10[%dma_wait3A_71] : memref<8224xi32, #tpu.memory_space<vmem>> -> memref<8208xi32, #tpu.memory_space<vmem>>
      %dma_wait3A_73 = tpu.memref_slice %arg3[%multiple_of3A] : memref<204800xi32, #tpu.memory_space<hbm>> -> memref<8208xi32, #tpu.memory_space<hbm>>
      tpu.wait_dma2 semaphore(%run_scoped3A : memref<!tpu.dma_semaphore, #tpu.memory_space<semaphore_mem>>) src(%dma_wait3A_73 : memref<8208xi32, #tpu.memory_space<hbm>>) dst(%dma_wait3A_72 : memref<8208xi32, #tpu.memory_space<vmem>>)
      tpu.yield
    }) : () -> ()
    %iota3A = tpu.iota {dimensions = array<i32: 0>} : vector<16xi32>
    %dma_start3A = arith.constant 0 : i32
    %dma_start3A_30 = tpu.memref_slice %arg5[%dma_start3A] : memref<41943040xf32, #tpu.memory_space<hbm>> -> memref<10000xf32, #tpu.memory_space<hbm>>
    %dma_start3A_31 = arith.constant 0 : i32
    %dma_start3A_32 = tpu.memref_slice %arg5[%dma_start3A_31] : memref<41943040xf32, #tpu.memory_space<hbm>> -> memref<10000xf32, #tpu.memory_space<hbm>>
    tpu.enqueue_dma source(%dma_start3A_32 : memref<10000xf32, #tpu.memory_space<hbm>>) target(%arg14 : memref<10000xf32, #tpu.memory_space<vmem>>) target_semaphore(%arg15 : memref<!tpu.dma_semaphore, #tpu.memory_space<semaphore_mem>>)
    %dma_start3A_33 = arith.constant 0 : i32
    %dma_start3A_34 = tpu.memref_slice %arg5[%dma_start3A_33] : memref<41943040xf32, #tpu.memory_space<hbm>> -> memref<10000xf32, #tpu.memory_space<hbm>>
    %dma_start3A_35 = arith.constant 0 : i32
    %dma_start3A_36 = tpu.memref_slice %arg5[%dma_start3A_35] : memref<41943040xf32, #tpu.memory_space<hbm>> -> memref<10000xf32, #tpu.memory_space<hbm>>
    tpu.enqueue_dma source(%dma_start3A_36 : memref<10000xf32, #tpu.memory_space<hbm>>) target(%arg14 : memref<10000xf32, #tpu.memory_space<vmem>>) target_semaphore(%arg15 : memref<!tpu.dma_semaphore, #tpu.memory_space<semaphore_mem>>)
    %sub3A = arith.subi %scan3A_15#0, %multiple_of3A : i32
    %scan3A_37 = arith.constant 0 : i32
    %scan3A_38 = arith.constant 0 : i32
    %scan3A_39 = arith.constant 0 : i32
    %scan3A_40 = arith.constant 64 : i32
    %scan3A_41 = arith.addi %scan3A_39, %scan3A_40 : i32
    %scan3A_42 = arith.constant 1 : i32
    %scan3A_43:4 = scf.for %scan3A_62 = %scan3A_39 to %scan3A_41 step %scan3A_42 iter_args(%scan3A_63 = %multiple_of3A, %scan3A_64 = %sub3A, %scan3A_65 = %scan3A_37, %scan3A_66 = %scan3A_38) -> (i32, i32, i32, i32)  : i32 {
      %mul3A_67 = arith.constant 2 : i32
      %mul3A_68 = arith.muli %mul3A_67, %scan3A_62 : i32
      %add3A_69 = arith.addi %mul3A_2, %mul3A_68 : i32
      %sub3A_70 = arith.constant 2 : i32
      %sub3A_71 = arith.subi %add3A_69, %sub3A_70 : i32
      %max3A_72 = arith.constant 0 : i32
      %max3A_73 = arith.maxsi %sub3A_71, %max3A_72 : i32
      %mul3A_74 = arith.constant 10240 : i32
      %mul3A_75 = arith.muli %max3A_73, %mul3A_74 : i32
      %multiple_of3A_76 = tpu.assume_multiple %mul3A_75, 8 : i32
      %dma_wait3A_77 = tpu.memref_slice %arg5[%multiple_of3A_76] : memref<41943040xf32, #tpu.memory_space<hbm>> -> memref<10000xf32, #tpu.memory_space<hbm>>
      %dma_wait3A_78 = tpu.memref_slice %arg5[%multiple_of3A_76] : memref<41943040xf32, #tpu.memory_space<hbm>> -> memref<10000xf32, #tpu.memory_space<hbm>>
      tpu.wait_dma2 semaphore(%arg15 : memref<!tpu.dma_semaphore, #tpu.memory_space<semaphore_mem>>) src(%arg7 : memref<10000xf32, #tpu.memory_space<vmem>>) dst(%dma_wait3A_78 : memref<10000xf32, #tpu.memory_space<hbm>>)
      %le3A = arith.constant 512 : i32
      %le3A_79 = arith.cmpi sle, %scan3A_65, %le3A : i32
      %convert_element_type3A = arith.extui %le3A_79 : i1 to i32
      %cond3A = arith.constant 0 : i32
      %cond3A_80 = arith.cmpi ne, %convert_element_type3A, %cond3A : i32
      scf.if %cond3A_80 {
        %while3A_121 = arith.constant 0 : i32
        %while3A_122 = arith.constant 0 : i32
        %while3A_123 = arith.subi %scan3A_65, %while3A_121 : i32
        %while3A_124 = arith.addi %while3A_121, %while3A_123 : i32
        %while3A_125 = arith.constant 1 : i32
        %while3A_126 = arith.divsi %while3A_123, %while3A_125 : i32
        %while3A_127 = arith.muli %while3A_126, %while3A_125 : i32
        %while3A_128 = arith.addi %while3A_121, %while3A_127 : i32
        %while3A_129 = arith.constant 1 : i32
        %while3A_130 = scf.for %while3A_133 = %while3A_121 to %while3A_128 step %while3A_129 iter_args(%while3A_134 = %while3A_122) -> (i32)  : i32 {
          %mul3A_135 = arith.constant 16 : i32
          %mul3A_136 = arith.muli %while3A_133, %mul3A_135 : i32
          %multiple_of3A_137 = tpu.assume_multiple %mul3A_136, 8 : i32
          %get3A = arith.index_cast %multiple_of3A_137 : i32 to index
          %get3A_138 = tpu.vector_load %arg11[%get3A] {strides = array<i32>} : memref<8192xi32, #tpu.memory_space<vmem>>, vector<16xi32>,
          %gather3A = tpu.vector_load_idx %arg6[%get3A_138] : memref<10000xf32, #tpu.memory_space<vmem>>[vector<16xi32>], vector<16xf32>,
          tpu.vector_store_idx %arg7[%get3A_138], %gather3A : memref<10000xf32, #tpu.memory_space<vmem>>[vector<16xi32>], vector<16xf32>,
          %while3A_139 = arith.constant 0 : i32
          scf.yield %while3A_139 : i32
        }
        %while3A_131 = arith.constant 1 : i32
        %while3A_132 = scf.for %while3A_133 = %while3A_128 to %while3A_124 step %while3A_131 iter_args(%while3A_134 = %while3A_130) -> (i32)  : i32 {
          %mul3A_135 = arith.constant 16 : i32
          %mul3A_136 = arith.muli %while3A_133, %mul3A_135 : i32
          %multiple_of3A_137 = tpu.assume_multiple %mul3A_136, 8 : i32
          %get3A = arith.index_cast %multiple_of3A_137 : i32 to index
          %get3A_138 = tpu.vector_load %arg11[%get3A] {strides = array<i32>} : memref<8192xi32, #tpu.memory_space<vmem>>, vector<16xi32>,
          %gather3A = tpu.vector_load_idx %arg6[%get3A_138] : memref<10000xf32, #tpu.memory_space<vmem>>[vector<16xi32>], vector<16xf32>,
          tpu.vector_store_idx %arg7[%get3A_138], %gather3A : memref<10000xf32, #tpu.memory_space<vmem>>[vector<16xi32>], vector<16xf32>,
          %while3A_139 = arith.constant 0 : i32
          scf.yield %while3A_139 : i32
        }
      } else {
      }
      %gt3A = arith.constant 512 : i32
      %gt3A_81 = arith.cmpi sgt, %scan3A_65, %gt3A : i32
      %convert_element_type3A_82 = arith.extui %gt3A_81 : i1 to i32
      %cond3A_83 = arith.constant 0 : i32
      %cond3A_84 = arith.cmpi ne, %convert_element_type3A_82, %cond3A_83 : i32
      scf.if %cond3A_84 {
        %scan3A_121 = arith.constant 0 : i32
        %scan3A_122 = arith.constant 0 : i32
        %scan3A_123 = arith.constant 625 : i32
        %scan3A_124 = arith.addi %scan3A_122, %scan3A_123 : i32
        %scan3A_125 = arith.constant 1 : i32
        %scan3A_126 = scf.for %scan3A_128 = %scan3A_122 to %scan3A_124 step %scan3A_125 iter_args(%scan3A_129 = %scan3A_121) -> (i32)  : i32 {
          %mul3A_130 = arith.constant 16 : i32
          %mul3A_131 = arith.muli %scan3A_128, %mul3A_130 : i32
          %get3A = arith.index_cast %mul3A_131 : i32 to index
          %get3A_132 = tpu.vector_load %arg6[%get3A] {strides = array<i32>} : memref<10000xf32, #tpu.memory_space<vmem>>, vector<16xf32>,
          %mul3A_133 = arith.constant 16 : i32
          %mul3A_134 = arith.muli %scan3A_128, %mul3A_133 : i32
          %swap3A = arith.index_cast %mul3A_134 : i32 to index
          %swap3A_135 = tpu.vector_load %arg7[%swap3A] {strides = array<i32>} : memref<10000xf32, #tpu.memory_space<vmem>>, vector<16xf32>,
          tpu.vector_store %arg7[%swap3A], %get3A_132 {strides = array<i32>} : memref<10000xf32, #tpu.memory_space<vmem>>, vector<16xf32>,
          %scan3A_136 = arith.constant 0 : i32
          scf.yield %scan3A_136 : i32
        }
        %scan3A_127 = arith.constant 625 : i32
      } else {
      }
      %while3A = arith.constant 0 : i32
      %while3A_85 = arith.constant false
      %while3A_86:4 = scf.while (%while3A_121 = %scan3A_63, %while3A_122 = %scan3A_64, %while3A_123 = %while3A, %while3A_124 = %while3A_85) : (i32, i32, i32, i1) -> (i32, i32, i32, i1) {
        %not3A_125 = arith.constant true
        %not3A_126 = arith.xori %while3A_124, %not3A_125 : i1
        scf.condition(%not3A_126) %while3A_121, %while3A_122, %while3A_123, %while3A_124 : i32, i32, i32, i1
      } do {
      ^bb0(%while3A_121: i32, %while3A_122: i32, %while3A_123: i32, %while3A_124: i1):
        %gt3A_125 = arith.constant 8176 : i32
        %gt3A_126 = arith.cmpi sgt, %while3A_122, %gt3A_125 : i32
        %lt3A = arith.constant 196592 : i32
        %lt3A_127 = arith.cmpi slt, %while3A_121, %lt3A : i32
        %and3A_128 = arith.andi %gt3A_126, %lt3A_127 : i1
        %convert_element_type3A_129 = arith.extui %and3A_128 : i1 to i32
        %cond3A_130 = arith.constant 0 : i32
        %cond3A_131 = arith.cmpi ne, %convert_element_type3A_129, %cond3A_130 : i32
        %cond3A_132:2 = scf.if %cond3A_131 -> (i32, i32) {
          %add3A_174 = arith.addi %while3A_121, %while3A_122 : i32
          %not3A_175 = arith.constant 7 : i32
          %not3A_176 = arith.constant -1 : i32
          %not3A_177 = arith.xori %not3A_175, %not3A_176 : i32
          %and3A_178 = arith.andi %add3A_174, %not3A_177 : i32
          %jit3A_179 = arith.constant 0 : i32
          %jit3A_180 = arith.constant 196592 : i32
          %max3A_181 = arith.maxsi %jit3A_179, %and3A_178 : i32
          %min3A_182 = arith.minsi %jit3A_180, %max3A_181 : i32
          %multiple_of3A_183 = tpu.assume_multiple %min3A_182, 8 : i32
          "tpu.region"() ({
            %run_scoped3A = tpu.sem_alloc : memref<!tpu.dma_semaphore, #tpu.memory_space<semaphore_mem>>
            %dma_start3A_186 = arith.constant 0 : i32
            %dma_start3A_187 = tpu.memref_slice %arg9[%dma_start3A_186] : memref<8224xi32, #tpu.memory_space<vmem>> -> memref<8208xi32, #tpu.memory_space<vmem>>
            %dma_start3A_188 = tpu.memref_slice %arg2[%multiple_of3A_183] : memref<204800xi32, #tpu.memory_space<hbm>> -> memref<8208xi32, #tpu.memory_space<hbm>>
            %dma_start3A_189 = arith.constant 0 : i32
            %dma_start3A_190 = tpu.memref_slice %arg9[%dma_start3A_189] : memref<8224xi32, #tpu.memory_space<vmem>> -> memref<8208xi32, #tpu.memory_space<vmem>>
            %dma_start3A_191 = tpu.memref_slice %arg2[%multiple_of3A_183] : memref<204800xi32, #tpu.memory_space<hbm>> -> memref<8208xi32, #tpu.memory_space<hbm>>
            tpu.enqueue_dma source(%dma_start3A_191 : memref<8208xi32, #tpu.memory_space<hbm>>) target(%dma_start3A_190 : memref<8208xi32, #tpu.memory_space<vmem>>) target_semaphore(%run_scoped3A : memref<!tpu.dma_semaphore, #tpu.memory_space<semaphore_mem>>)
            %dma_wait3A_192 = arith.constant 0 : i32
            %dma_wait3A_193 = tpu.memref_slice %arg9[%dma_wait3A_192] : memref<8224xi32, #tpu.memory_space<vmem>> -> memref<8208xi32, #tpu.memory_space<vmem>>
            %dma_wait3A_194 = tpu.memref_slice %arg2[%multiple_of3A_183] : memref<204800xi32, #tpu.memory_space<hbm>> -> memref<8208xi32, #tpu.memory_space<hbm>>
            %dma_wait3A_195 = arith.constant 0 : i32
            %dma_wait3A_196 = tpu.memref_slice %arg9[%dma_wait3A_195] : memref<8224xi32, #tpu.memory_space<vmem>> -> memref<8208xi32, #tpu.memory_space<vmem>>
            %dma_wait3A_197 = tpu.memref_slice %arg2[%multiple_of3A_183] : memref<204800xi32, #tpu.memory_space<hbm>> -> memref<8208xi32, #tpu.memory_space<hbm>>
            tpu.wait_dma2 semaphore(%run_scoped3A : memref<!tpu.dma_semaphore, #tpu.memory_space<semaphore_mem>>) src(%dma_wait3A_197 : memref<8208xi32, #tpu.memory_space<hbm>>) dst(%dma_wait3A_196 : memref<8208xi32, #tpu.memory_space<vmem>>)
            tpu.yield
          }) : () -> ()
          "tpu.region"() ({
            %run_scoped3A = tpu.sem_alloc : memref<!tpu.dma_semaphore, #tpu.memory_space<semaphore_mem>>
            %dma_start3A_186 = arith.constant 0 : i32
            %dma_start3A_187 = tpu.memref_slice %arg10[%dma_start3A_186] : memref<8224xi32, #tpu.memory_space<vmem>> -> memref<8208xi32, #tpu.memory_space<vmem>>
            %dma_start3A_188 = tpu.memref_slice %arg3[%multiple_of3A_183] : memref<204800xi32, #tpu.memory_space<hbm>> -> memref<8208xi32, #tpu.memory_space<hbm>>
            %dma_start3A_189 = arith.constant 0 : i32
            %dma_start3A_190 = tpu.memref_slice %arg10[%dma_start3A_189] : memref<8224xi32, #tpu.memory_space<vmem>> -> memref<8208xi32, #tpu.memory_space<vmem>>
            %dma_start3A_191 = tpu.memref_slice %arg3[%multiple_of3A_183] : memref<204800xi32, #tpu.memory_space<hbm>> -> memref<8208xi32, #tpu.memory_space<hbm>>
            tpu.enqueue_dma source(%dma_start3A_191 : memref<8208xi32, #tpu.memory_space<hbm>>) target(%dma_start3A_190 : memref<8208xi32, #tpu.memory_space<vmem>>) target_semaphore(%run_scoped3A : memref<!tpu.dma_semaphore, #tpu.memory_space<semaphore_mem>>)
            %dma_wait3A_192 = arith.constant 0 : i32
            %dma_wait3A_193 = tpu.memref_slice %arg10[%dma_wait3A_192] : memref<8224xi32, #tpu.memory_space<vmem>> -> memref<8208xi32, #tpu.memory_space<vmem>>
            %dma_wait3A_194 = tpu.memref_slice %arg3[%multiple_of3A_183] : memref<204800xi32, #tpu.memory_space<hbm>> -> memref<8208xi32, #tpu.memory_space<hbm>>
            %dma_wait3A_195 = arith.constant 0 : i32
            %dma_wait3A_196 = tpu.memref_slice %arg10[%dma_wait3A_195] : memref<8224xi32, #tpu.memory_space<vmem>> -> memref<8208xi32, #tpu.memory_space<vmem>>
            %dma_wait3A_197 = tpu.memref_slice %arg3[%multiple_of3A_183] : memref<204800xi32, #tpu.memory_space<hbm>> -> memref<8208xi32, #tpu.memory_space<hbm>>
            tpu.wait_dma2 semaphore(%run_scoped3A : memref<!tpu.dma_semaphore, #tpu.memory_space<semaphore_mem>>) src(%dma_wait3A_197 : memref<8208xi32, #tpu.memory_space<hbm>>) dst(%dma_wait3A_196 : memref<8208xi32, #tpu.memory_space<vmem>>)
            tpu.yield
          }) : () -> ()
          %add3A_184 = arith.addi %while3A_121, %while3A_122 : i32
          %sub3A_185 = arith.subi %add3A_184, %multiple_of3A_183 : i32
          scf.yield %multiple_of3A_183, %sub3A_185 : i32, i32
        } else {
          scf.yield %while3A_121, %while3A_122 : i32, i32
        }
        %not3A_133 = arith.constant 7 : i32
        %not3A_134 = arith.constant -1 : i32
        %not3A_135 = arith.xori %not3A_133, %not3A_134 : i32
        %and3A_136 = arith.andi %cond3A_132#1, %not3A_135 : i32
        %multiple_of3A_137 = tpu.assume_multiple %and3A_136, 8 : i32
        %sub3A_138 = arith.subi %cond3A_132#1, %multiple_of3A_137 : i32
        %get3A = arith.index_cast %multiple_of3A_137 : i32 to index
        %get3A_139 = tpu.vector_load %arg10[%get3A] {strides = array<i32>} : memref<8224xi32, #tpu.memory_space<vmem>>, vector<16xi32>,
        %get3A_140 = arith.index_cast %multiple_of3A_137 : i32 to index
        %get3A_141 = tpu.vector_load %arg9[%get3A_140] {strides = array<i32>} : memref<8224xi32, #tpu.memory_space<vmem>>, vector<16xi32>,
        %add3A_142 = arith.addi %cond3A_132#0, %cond3A_132#1 : i32
        %sub3A_143 = arith.subi %scan3A_25#0, %add3A_142 : i32
        %eq3A = vector.broadcast %add3A_69 : i32 to vector<16xi32>
        %eq3A_144 = arith.cmpi eq, %get3A_139, %eq3A : vector<16xi32>
        %ge3A = vector.broadcast %sub3A_138 : i32 to vector<16xi32>
        %ge3A_145 = arith.cmpi sge, %iota3A, %ge3A : vector<16xi32>
        %add3A_146 = arith.addi %sub3A_138, %sub3A_143 : i32
        %lt3A_147 = vector.broadcast %add3A_146 : i32 to vector<16xi32>
        %lt3A_148 = arith.cmpi slt, %iota3A, %lt3A_147 : vector<16xi32>
        %and3A_149 = arith.andi %ge3A_145, %lt3A_148 : vector<16xi1>
        %and3A_150 = arith.andi %eq3A_144, %and3A_149 : vector<16xi1>
        %convert_element_type3A_151 = arith.extui %and3A_150 : vector<16xi1> to vector<16xi32>
        %reduce_sum3A = arith.constant true
        %reduce_sum3A_152 = vector.broadcast %reduce_sum3A : i1 to vector<16xi1>
        %reduce_sum3A_153 = tpu.scan <sum>, %convert_element_type3A_151 masked %reduce_sum3A_152 : vector<16xi32>, vector<16xi1> -> vector<16xi32>
        %reduce_sum3A_154 = vector.extract %reduce_sum3A_153[15] : i32 from vector<16xi32>
        %gather3A = tpu.vector_load_idx %arg6[%get3A_141] : memref<10000xf32, #tpu.memory_space<vmem>>[vector<16xi32>], vector<16xf32>,
        %add3A_155 = arith.constant 1.000000e+00 : f32
        %add3A_156 = vector.broadcast %add3A_155 : f32 to vector<16xf32>
        %add3A_157 = arith.addf %gather3A, %add3A_156 : vector<16xf32>
        tpu.vector_store_idx %arg7[%get3A_141], %add3A_157 masked %and3A_150 : memref<10000xf32, #tpu.memory_space<vmem>>[vector<16xi32>], vector<16xf32>, vector<16xi1>
        %lt3A_158 = arith.constant 512 : i32
        %lt3A_159 = arith.cmpi slt, %while3A_123, %lt3A_158 : i32
        %gt3A_160 = arith.constant 0 : i32
        %gt3A_161 = arith.cmpi sgt, %reduce_sum3A_154, %gt3A_160 : i32
        %and3A_162 = arith.andi %lt3A_159, %gt3A_161 : i1
        %convert_element_type3A_163 = arith.extui %and3A_162 : i1 to i32
        %cond3A_164 = arith.constant 0 : i32
        %cond3A_165 = arith.cmpi ne, %convert_element_type3A_163, %cond3A_164 : i32
        scf.if %cond3A_165 {
          %mul3A_174 = arith.constant 16 : i32
          %mul3A_175 = arith.muli %while3A_123, %mul3A_174 : i32
          %multiple_of3A_176 = tpu.assume_multiple %mul3A_175, 8 : i32
          %swap3A = arith.index_cast %multiple_of3A_176 : i32 to index
          %swap3A_177 = tpu.vector_load %arg11[%swap3A] {strides = array<i32>} : memref<8192xi32, #tpu.memory_space<vmem>>, vector<16xi32>,
          tpu.vector_store %arg11[%swap3A], %get3A_141 {strides = array<i32>} : memref<8192xi32, #tpu.memory_space<vmem>>, vector<16xi32>,
        } else {
        }
        %gt3A_166 = arith.constant 0 : i32
        %gt3A_167 = arith.cmpi sgt, %reduce_sum3A_154, %gt3A_166 : i32
        %add3A_168 = arith.constant 1 : i32
        %add3A_169 = arith.addi %while3A_123, %add3A_168 : i32
        %select_n3A = arith.select %gt3A_167, %add3A_169, %while3A_123 : i32
        %add3A_170 = arith.addi %cond3A_132#1, %reduce_sum3A_154 : i32
        %sub3A_171 = arith.constant 16 : i32
        %sub3A_172 = arith.subi %sub3A_171, %sub3A_138 : i32
        %lt3A_173 = arith.cmpi slt, %reduce_sum3A_154, %sub3A_172 : i32
        scf.yield %cond3A_132#0, %add3A_170, %select_n3A, %lt3A_173 : i32, i32, i32, i1
      }
      %mul3A_87 = arith.constant 10240 : i32
      %mul3A_88 = arith.muli %add3A_69, %mul3A_87 : i32
      %multiple_of3A_89 = tpu.assume_multiple %mul3A_88, 8 : i32
      %dma_start3A_90 = tpu.memref_slice %arg5[%multiple_of3A_89] : memref<41943040xf32, #tpu.memory_space<hbm>> -> memref<10000xf32, #tpu.memory_space<hbm>>
      %dma_start3A_91 = tpu.memref_slice %arg5[%multiple_of3A_89] : memref<41943040xf32, #tpu.memory_space<hbm>> -> memref<10000xf32, #tpu.memory_space<hbm>>
      tpu.enqueue_dma source(%arg7 : memref<10000xf32, #tpu.memory_space<vmem>>) target(%dma_start3A_91 : memref<10000xf32, #tpu.memory_space<hbm>>) target_semaphore(%arg15 : memref<!tpu.dma_semaphore, #tpu.memory_space<semaphore_mem>>)
      %add3A_92 = arith.constant 1 : i32
      %add3A_93 = arith.addi %add3A_69, %add3A_92 : i32
      %sub3A_94 = arith.constant 2 : i32
      %sub3A_95 = arith.subi %add3A_93, %sub3A_94 : i32
      %max3A_96 = arith.constant 0 : i32
      %max3A_97 = arith.maxsi %sub3A_95, %max3A_96 : i32
      %mul3A_98 = arith.constant 10240 : i32
      %mul3A_99 = arith.muli %max3A_97, %mul3A_98 : i32
      %multiple_of3A_100 = tpu.assume_multiple %mul3A_99, 8 : i32
      %dma_wait3A_101 = tpu.memref_slice %arg5[%multiple_of3A_100] : memref<41943040xf32, #tpu.memory_space<hbm>> -> memref<10000xf32, #tpu.memory_space<hbm>>
      %dma_wait3A_102 = tpu.memref_slice %arg5[%multiple_of3A_100] : memref<41943040xf32, #tpu.memory_space<hbm>> -> memref<10000xf32, #tpu.memory_space<hbm>>
      tpu.wait_dma2 semaphore(%arg15 : memref<!tpu.dma_semaphore, #tpu.memory_space<semaphore_mem>>) src(%arg8 : memref<10000xf32, #tpu.memory_space<vmem>>) dst(%dma_wait3A_102 : memref<10000xf32, #tpu.memory_space<hbm>>)
      %le3A_103 = arith.constant 512 : i32
      %le3A_104 = arith.cmpi sle, %scan3A_66, %le3A_103 : i32
      %convert_element_type3A_105 = arith.extui %le3A_104 : i1 to i32
      %cond3A_106 = arith.constant 0 : i32
      %cond3A_107 = arith.cmpi ne, %convert_element_type3A_105, %cond3A_106 : i32
      scf.if %cond3A_107 {
        %while3A_121 = arith.constant 0 : i32
        %while3A_122 = arith.constant 0 : i32
        %while3A_123 = arith.subi %scan3A_66, %while3A_121 : i32
        %while3A_124 = arith.addi %while3A_121, %while3A_123 : i32
        %while3A_125 = arith.constant 1 : i32
        %while3A_126 = arith.divsi %while3A_123, %while3A_125 : i32
        %while3A_127 = arith.muli %while3A_126, %while3A_125 : i32
        %while3A_128 = arith.addi %while3A_121, %while3A_127 : i32
        %while3A_129 = arith.constant 1 : i32
        %while3A_130 = scf.for %while3A_133 = %while3A_121 to %while3A_128 step %while3A_129 iter_args(%while3A_134 = %while3A_122) -> (i32)  : i32 {
          %mul3A_135 = arith.constant 16 : i32
          %mul3A_136 = arith.muli %while3A_133, %mul3A_135 : i32
          %multiple_of3A_137 = tpu.assume_multiple %mul3A_136, 8 : i32
          %get3A = arith.index_cast %multiple_of3A_137 : i32 to index
          %get3A_138 = tpu.vector_load %arg12[%get3A] {strides = array<i32>} : memref<8192xi32, #tpu.memory_space<vmem>>, vector<16xi32>,
          %gather3A = tpu.vector_load_idx %arg6[%get3A_138] : memref<10000xf32, #tpu.memory_space<vmem>>[vector<16xi32>], vector<16xf32>,
          tpu.vector_store_idx %arg8[%get3A_138], %gather3A : memref<10000xf32, #tpu.memory_space<vmem>>[vector<16xi32>], vector<16xf32>,
          %while3A_139 = arith.constant 0 : i32
          scf.yield %while3A_139 : i32
        }
        %while3A_131 = arith.constant 1 : i32
        %while3A_132 = scf.for %while3A_133 = %while3A_128 to %while3A_124 step %while3A_131 iter_args(%while3A_134 = %while3A_130) -> (i32)  : i32 {
          %mul3A_135 = arith.constant 16 : i32
          %mul3A_136 = arith.muli %while3A_133, %mul3A_135 : i32
          %multiple_of3A_137 = tpu.assume_multiple %mul3A_136, 8 : i32
          %get3A = arith.index_cast %multiple_of3A_137 : i32 to index
          %get3A_138 = tpu.vector_load %arg12[%get3A] {strides = array<i32>} : memref<8192xi32, #tpu.memory_space<vmem>>, vector<16xi32>,
          %gather3A = tpu.vector_load_idx %arg6[%get3A_138] : memref<10000xf32, #tpu.memory_space<vmem>>[vector<16xi32>], vector<16xf32>,
          tpu.vector_store_idx %arg8[%get3A_138], %gather3A : memref<10000xf32, #tpu.memory_space<vmem>>[vector<16xi32>], vector<16xf32>,
          %while3A_139 = arith.constant 0 : i32
          scf.yield %while3A_139 : i32
        }
      } else {
      }
      %gt3A_108 = arith.constant 512 : i32
      %gt3A_109 = arith.cmpi sgt, %scan3A_66, %gt3A_108 : i32
      %convert_element_type3A_110 = arith.extui %gt3A_109 : i1 to i32
      %cond3A_111 = arith.constant 0 : i32
      %cond3A_112 = arith.cmpi ne, %convert_element_type3A_110, %cond3A_111 : i32
      scf.if %cond3A_112 {
        %scan3A_121 = arith.constant 0 : i32
        %scan3A_122 = arith.constant 0 : i32
        %scan3A_123 = arith.constant 625 : i32
        %scan3A_124 = arith.addi %scan3A_122, %scan3A_123 : i32
        %scan3A_125 = arith.constant 1 : i32
        %scan3A_126 = scf.for %scan3A_128 = %scan3A_122 to %scan3A_124 step %scan3A_125 iter_args(%scan3A_129 = %scan3A_121) -> (i32)  : i32 {
          %mul3A_130 = arith.constant 16 : i32
          %mul3A_131 = arith.muli %scan3A_128, %mul3A_130 : i32
          %get3A = arith.index_cast %mul3A_131 : i32 to index
          %get3A_132 = tpu.vector_load %arg6[%get3A] {strides = array<i32>} : memref<10000xf32, #tpu.memory_space<vmem>>, vector<16xf32>,
          %mul3A_133 = arith.constant 16 : i32
          %mul3A_134 = arith.muli %scan3A_128, %mul3A_133 : i32
          %swap3A = arith.index_cast %mul3A_134 : i32 to index
          %swap3A_135 = tpu.vector_load %arg8[%swap3A] {strides = array<i32>} : memref<10000xf32, #tpu.memory_space<vmem>>, vector<16xf32>,
          tpu.vector_store %arg8[%swap3A], %get3A_132 {strides = array<i32>} : memref<10000xf32, #tpu.memory_space<vmem>>, vector<16xf32>,
          %scan3A_136 = arith.constant 0 : i32
          scf.yield %scan3A_136 : i32
        }
        %scan3A_127 = arith.constant 625 : i32
      } else {
      }
      %while3A_113 = arith.constant 0 : i32
      %while3A_114 = arith.constant false
      %while3A_115:4 = scf.while (%while3A_121 = %while3A_86#0, %while3A_122 = %while3A_86#1, %while3A_123 = %while3A_113, %while3A_124 = %while3A_114) : (i32, i32, i32, i1) -> (i32, i32, i32, i1) {
        %not3A_125 = arith.constant true
        %not3A_126 = arith.xori %while3A_124, %not3A_125 : i1
        scf.condition(%not3A_126) %while3A_121, %while3A_122, %while3A_123, %while3A_124 : i32, i32, i32, i1
      } do {
      ^bb0(%while3A_121: i32, %while3A_122: i32, %while3A_123: i32, %while3A_124: i1):
        %gt3A_125 = arith.constant 8176 : i32
        %gt3A_126 = arith.cmpi sgt, %while3A_122, %gt3A_125 : i32
        %lt3A = arith.constant 196592 : i32
        %lt3A_127 = arith.cmpi slt, %while3A_121, %lt3A : i32
        %and3A_128 = arith.andi %gt3A_126, %lt3A_127 : i1
        %convert_element_type3A_129 = arith.extui %and3A_128 : i1 to i32
        %cond3A_130 = arith.constant 0 : i32
        %cond3A_131 = arith.cmpi ne, %convert_element_type3A_129, %cond3A_130 : i32
        %cond3A_132:2 = scf.if %cond3A_131 -> (i32, i32) {
          %add3A_174 = arith.addi %while3A_121, %while3A_122 : i32
          %not3A_175 = arith.constant 7 : i32
          %not3A_176 = arith.constant -1 : i32
          %not3A_177 = arith.xori %not3A_175, %not3A_176 : i32
          %and3A_178 = arith.andi %add3A_174, %not3A_177 : i32
          %jit3A_179 = arith.constant 0 : i32
          %jit3A_180 = arith.constant 196592 : i32
          %max3A_181 = arith.maxsi %jit3A_179, %and3A_178 : i32
          %min3A_182 = arith.minsi %jit3A_180, %max3A_181 : i32
          %multiple_of3A_183 = tpu.assume_multiple %min3A_182, 8 : i32
          "tpu.region"() ({
            %run_scoped3A = tpu.sem_alloc : memref<!tpu.dma_semaphore, #tpu.memory_space<semaphore_mem>>
            %dma_start3A_186 = arith.constant 0 : i32
            %dma_start3A_187 = tpu.memref_slice %arg9[%dma_start3A_186] : memref<8224xi32, #tpu.memory_space<vmem>> -> memref<8208xi32, #tpu.memory_space<vmem>>
            %dma_start3A_188 = tpu.memref_slice %arg2[%multiple_of3A_183] : memref<204800xi32, #tpu.memory_space<hbm>> -> memref<8208xi32, #tpu.memory_space<hbm>>
            %dma_start3A_189 = arith.constant 0 : i32
            %dma_start3A_190 = tpu.memref_slice %arg9[%dma_start3A_189] : memref<8224xi32, #tpu.memory_space<vmem>> -> memref<8208xi32, #tpu.memory_space<vmem>>
            %dma_start3A_191 = tpu.memref_slice %arg2[%multiple_of3A_183] : memref<204800xi32, #tpu.memory_space<hbm>> -> memref<8208xi32, #tpu.memory_space<hbm>>
            tpu.enqueue_dma source(%dma_start3A_191 : memref<8208xi32, #tpu.memory_space<hbm>>) target(%dma_start3A_190 : memref<8208xi32, #tpu.memory_space<vmem>>) target_semaphore(%run_scoped3A : memref<!tpu.dma_semaphore, #tpu.memory_space<semaphore_mem>>)
            %dma_wait3A_192 = arith.constant 0 : i32
            %dma_wait3A_193 = tpu.memref_slice %arg9[%dma_wait3A_192] : memref<8224xi32, #tpu.memory_space<vmem>> -> memref<8208xi32, #tpu.memory_space<vmem>>
            %dma_wait3A_194 = tpu.memref_slice %arg2[%multiple_of3A_183] : memref<204800xi32, #tpu.memory_space<hbm>> -> memref<8208xi32, #tpu.memory_space<hbm>>
            %dma_wait3A_195 = arith.constant 0 : i32
            %dma_wait3A_196 = tpu.memref_slice %arg9[%dma_wait3A_195] : memref<8224xi32, #tpu.memory_space<vmem>> -> memref<8208xi32, #tpu.memory_space<vmem>>
            %dma_wait3A_197 = tpu.memref_slice %arg2[%multiple_of3A_183] : memref<204800xi32, #tpu.memory_space<hbm>> -> memref<8208xi32, #tpu.memory_space<hbm>>
            tpu.wait_dma2 semaphore(%run_scoped3A : memref<!tpu.dma_semaphore, #tpu.memory_space<semaphore_mem>>) src(%dma_wait3A_197 : memref<8208xi32, #tpu.memory_space<hbm>>) dst(%dma_wait3A_196 : memref<8208xi32, #tpu.memory_space<vmem>>)
            tpu.yield
          }) : () -> ()
          "tpu.region"() ({
            %run_scoped3A = tpu.sem_alloc : memref<!tpu.dma_semaphore, #tpu.memory_space<semaphore_mem>>
            %dma_start3A_186 = arith.constant 0 : i32
            %dma_start3A_187 = tpu.memref_slice %arg10[%dma_start3A_186] : memref<8224xi32, #tpu.memory_space<vmem>> -> memref<8208xi32, #tpu.memory_space<vmem>>
            %dma_start3A_188 = tpu.memref_slice %arg3[%multiple_of3A_183] : memref<204800xi32, #tpu.memory_space<hbm>> -> memref<8208xi32, #tpu.memory_space<hbm>>
            %dma_start3A_189 = arith.constant 0 : i32
            %dma_start3A_190 = tpu.memref_slice %arg10[%dma_start3A_189] : memref<8224xi32, #tpu.memory_space<vmem>> -> memref<8208xi32, #tpu.memory_space<vmem>>
            %dma_start3A_191 = tpu.memref_slice %arg3[%multiple_of3A_183] : memref<204800xi32, #tpu.memory_space<hbm>> -> memref<8208xi32, #tpu.memory_space<hbm>>
            tpu.enqueue_dma source(%dma_start3A_191 : memref<8208xi32, #tpu.memory_space<hbm>>) target(%dma_start3A_190 : memref<8208xi32, #tpu.memory_space<vmem>>) target_semaphore(%run_scoped3A : memref<!tpu.dma_semaphore, #tpu.memory_space<semaphore_mem>>)
            %dma_wait3A_192 = arith.constant 0 : i32
            %dma_wait3A_193 = tpu.memref_slice %arg10[%dma_wait3A_192] : memref<8224xi32, #tpu.memory_space<vmem>> -> memref<8208xi32, #tpu.memory_space<vmem>>
            %dma_wait3A_194 = tpu.memref_slice %arg3[%multiple_of3A_183] : memref<204800xi32, #tpu.memory_space<hbm>> -> memref<8208xi32, #tpu.memory_space<hbm>>
            %dma_wait3A_195 = arith.constant 0 : i32
            %dma_wait3A_196 = tpu.memref_slice %arg10[%dma_wait3A_195] : memref<8224xi32, #tpu.memory_space<vmem>> -> memref<8208xi32, #tpu.memory_space<vmem>>
            %dma_wait3A_197 = tpu.memref_slice %arg3[%multiple_of3A_183] : memref<204800xi32, #tpu.memory_space<hbm>> -> memref<8208xi32, #tpu.memory_space<hbm>>
            tpu.wait_dma2 semaphore(%run_scoped3A : memref<!tpu.dma_semaphore, #tpu.memory_space<semaphore_mem>>) src(%dma_wait3A_197 : memref<8208xi32, #tpu.memory_space<hbm>>) dst(%dma_wait3A_196 : memref<8208xi32, #tpu.memory_space<vmem>>)
            tpu.yield
          }) : () -> ()
          %add3A_184 = arith.addi %while3A_121, %while3A_122 : i32
          %sub3A_185 = arith.subi %add3A_184, %multiple_of3A_183 : i32
          scf.yield %multiple_of3A_183, %sub3A_185 : i32, i32
        } else {
          scf.yield %while3A_121, %while3A_122 : i32, i32
        }
        %not3A_133 = arith.constant 7 : i32
        %not3A_134 = arith.constant -1 : i32
        %not3A_135 = arith.xori %not3A_133, %not3A_134 : i32
        %and3A_136 = arith.andi %cond3A_132#1, %not3A_135 : i32
        %multiple_of3A_137 = tpu.assume_multiple %and3A_136, 8 : i32
        %sub3A_138 = arith.subi %cond3A_132#1, %multiple_of3A_137 : i32
        %get3A = arith.index_cast %multiple_of3A_137 : i32 to index
        %get3A_139 = tpu.vector_load %arg10[%get3A] {strides = array<i32>} : memref<8224xi32, #tpu.memory_space<vmem>>, vector<16xi32>,
        %get3A_140 = arith.index_cast %multiple_of3A_137 : i32 to index
        %get3A_141 = tpu.vector_load %arg9[%get3A_140] {strides = array<i32>} : memref<8224xi32, #tpu.memory_space<vmem>>, vector<16xi32>,
        %add3A_142 = arith.addi %cond3A_132#0, %cond3A_132#1 : i32
        %sub3A_143 = arith.subi %scan3A_25#0, %add3A_142 : i32
        %eq3A = vector.broadcast %add3A_93 : i32 to vector<16xi32>
        %eq3A_144 = arith.cmpi eq, %get3A_139, %eq3A : vector<16xi32>
        %ge3A = vector.broadcast %sub3A_138 : i32 to vector<16xi32>
        %ge3A_145 = arith.cmpi sge, %iota3A, %ge3A : vector<16xi32>
        %add3A_146 = arith.addi %sub3A_138, %sub3A_143 : i32
        %lt3A_147 = vector.broadcast %add3A_146 : i32 to vector<16xi32>
        %lt3A_148 = arith.cmpi slt, %iota3A, %lt3A_147 : vector<16xi32>
        %and3A_149 = arith.andi %ge3A_145, %lt3A_148 : vector<16xi1>
        %and3A_150 = arith.andi %eq3A_144, %and3A_149 : vector<16xi1>
        %convert_element_type3A_151 = arith.extui %and3A_150 : vector<16xi1> to vector<16xi32>
        %reduce_sum3A = arith.constant true
        %reduce_sum3A_152 = vector.broadcast %reduce_sum3A : i1 to vector<16xi1>
        %reduce_sum3A_153 = tpu.scan <sum>, %convert_element_type3A_151 masked %reduce_sum3A_152 : vector<16xi32>, vector<16xi1> -> vector<16xi32>
        %reduce_sum3A_154 = vector.extract %reduce_sum3A_153[15] : i32 from vector<16xi32>
        %gather3A = tpu.vector_load_idx %arg6[%get3A_141] : memref<10000xf32, #tpu.memory_space<vmem>>[vector<16xi32>], vector<16xf32>,
        %add3A_155 = arith.constant 1.000000e+00 : f32
        %add3A_156 = vector.broadcast %add3A_155 : f32 to vector<16xf32>
        %add3A_157 = arith.addf %gather3A, %add3A_156 : vector<16xf32>
        tpu.vector_store_idx %arg8[%get3A_141], %add3A_157 masked %and3A_150 : memref<10000xf32, #tpu.memory_space<vmem>>[vector<16xi32>], vector<16xf32>, vector<16xi1>
        %lt3A_158 = arith.constant 512 : i32
        %lt3A_159 = arith.cmpi slt, %while3A_123, %lt3A_158 : i32
        %gt3A_160 = arith.constant 0 : i32
        %gt3A_161 = arith.cmpi sgt, %reduce_sum3A_154, %gt3A_160 : i32
        %and3A_162 = arith.andi %lt3A_159, %gt3A_161 : i1
        %convert_element_type3A_163 = arith.extui %and3A_162 : i1 to i32
        %cond3A_164 = arith.constant 0 : i32
        %cond3A_165 = arith.cmpi ne, %convert_element_type3A_163, %cond3A_164 : i32
        scf.if %cond3A_165 {
          %mul3A_174 = arith.constant 16 : i32
          %mul3A_175 = arith.muli %while3A_123, %mul3A_174 : i32
          %multiple_of3A_176 = tpu.assume_multiple %mul3A_175, 8 : i32
          %swap3A = arith.index_cast %multiple_of3A_176 : i32 to index
          %swap3A_177 = tpu.vector_load %arg12[%swap3A] {strides = array<i32>} : memref<8192xi32, #tpu.memory_space<vmem>>, vector<16xi32>,
          tpu.vector_store %arg12[%swap3A], %get3A_141 {strides = array<i32>} : memref<8192xi32, #tpu.memory_space<vmem>>, vector<16xi32>,
        } else {
        }
        %gt3A_166 = arith.constant 0 : i32
        %gt3A_167 = arith.cmpi sgt, %reduce_sum3A_154, %gt3A_166 : i32
        %add3A_168 = arith.constant 1 : i32
        %add3A_169 = arith.addi %while3A_123, %add3A_168 : i32
        %select_n3A = arith.select %gt3A_167, %add3A_169, %while3A_123 : i32
        %add3A_170 = arith.addi %cond3A_132#1, %reduce_sum3A_154 : i32
        %sub3A_171 = arith.constant 16 : i32
        %sub3A_172 = arith.subi %sub3A_171, %sub3A_138 : i32
        %lt3A_173 = arith.cmpi slt, %reduce_sum3A_154, %sub3A_172 : i32
        scf.yield %cond3A_132#0, %add3A_170, %select_n3A, %lt3A_173 : i32, i32, i32, i1
      }
      %mul3A_116 = arith.constant 10240 : i32
      %mul3A_117 = arith.muli %add3A_93, %mul3A_116 : i32
      %multiple_of3A_118 = tpu.assume_multiple %mul3A_117, 8 : i32
      %dma_start3A_119 = tpu.memref_slice %arg5[%multiple_of3A_118] : memref<41943040xf32, #tpu.memory_space<hbm>> -> memref<10000xf32, #tpu.memory_space<hbm>>
      %dma_start3A_120 = tpu.memref_slice %arg5[%multiple_of3A_118] : memref<41943040xf32, #tpu.memory_space<hbm>> -> memref<10000xf32, #tpu.memory_space<hbm>>
      tpu.enqueue_dma source(%arg8 : memref<10000xf32, #tpu.memory_space<vmem>>) target(%dma_start3A_120 : memref<10000xf32, #tpu.memory_space<hbm>>) target_semaphore(%arg15 : memref<!tpu.dma_semaphore, #tpu.memory_space<semaphore_mem>>)
      scf.yield %while3A_115#0, %while3A_115#1, %while3A_86#2, %while3A_115#2 : i32, i32, i32, i32
    }
    %scan3A_44 = arith.constant 64 : i32
    %add3A_45 = arith.constant 128 : i32
    %add3A_46 = arith.addi %mul3A_2, %add3A_45 : i32
    %sub3A_47 = arith.constant 2 : i32
    %sub3A_48 = arith.subi %add3A_46, %sub3A_47 : i32
    %mul3A_49 = arith.constant 10240 : i32
    %mul3A_50 = arith.muli %sub3A_48, %mul3A_49 : i32
    %multiple_of3A_51 = tpu.assume_multiple %mul3A_50, 8 : i32
    %dma_wait3A = tpu.memref_slice %arg5[%multiple_of3A_51] : memref<41943040xf32, #tpu.memory_space<hbm>> -> memref<10000xf32, #tpu.memory_space<hbm>>
    %dma_wait3A_52 = tpu.memref_slice %arg5[%multiple_of3A_51] : memref<41943040xf32, #tpu.memory_space<hbm>> -> memref<10000xf32, #tpu.memory_space<hbm>>
    tpu.wait_dma2 semaphore(%arg15 : memref<!tpu.dma_semaphore, #tpu.memory_space<semaphore_mem>>) src(%arg7 : memref<10000xf32, #tpu.memory_space<vmem>>) dst(%dma_wait3A_52 : memref<10000xf32, #tpu.memory_space<hbm>>)
    %add3A_53 = arith.constant 128 : i32
    %add3A_54 = arith.addi %mul3A_2, %add3A_53 : i32
    %sub3A_55 = arith.constant 1 : i32
    %sub3A_56 = arith.subi %add3A_54, %sub3A_55 : i32
    %mul3A_57 = arith.constant 10240 : i32
    %mul3A_58 = arith.muli %sub3A_56, %mul3A_57 : i32
    %multiple_of3A_59 = tpu.assume_multiple %mul3A_58, 8 : i32
    %dma_wait3A_60 = tpu.memref_slice %arg5[%multiple_of3A_59] : memref<41943040xf32, #tpu.memory_space<hbm>> -> memref<10000xf32, #tpu.memory_space<hbm>>
    %dma_wait3A_61 = tpu.memref_slice %arg5[%multiple_of3A_59] : memref<41943040xf32, #tpu.memory_space<hbm>> -> memref<10000xf32, #tpu.memory_space<hbm>>
    tpu.wait_dma2 semaphore(%arg15 : memref<!tpu.dma_semaphore, #tpu.memory_space<semaphore_mem>>) src(%arg8 : memref<10000xf32, #tpu.memory_space<vmem>>) dst(%dma_wait3A_61 : memref<10000xf32, #tpu.memory_space<hbm>>)
    return
  }
}

module attributes {stable_mosaic.version = 14 : i64} {
  func.func @_repack_body(%arg0: i32, %arg1: memref<655360xf32, #tpu.memory_space<vmem>>, %arg2: memref<64x10000xf32, #tpu.memory_space<vmem>>) attributes {dimension_semantics = [#tpu.dimension_semantics<arbitrary>], iteration_bounds = array<i64: 64>, scalar_prefetch = 0 : i64, scratch_operands = 0 : i64, tpu.core_type = #tpu.core_type<tc>, window_params = [{transform_indices = @transform_0, window_bounds = array<i64: 655360>}, {transform_indices = @transform_1, window_bounds = array<i64: 64, 10000>}]} {
    %get3A = arith.constant 0 : index
    %get3A_0 = vector.load %arg1[%get3A] : memref<655360xf32, #tpu.memory_space<vmem>>, vector<655360xf32>
    %reshape3A = vector.shape_cast %get3A_0 : vector<655360xf32> to vector<64x10240xf32>
    %slice3A = vector.extract_strided_slice %reshape3A {offsets = [0, 0], sizes = [64, 10000], strides = [1, 1]} : vector<64x10240xf32> to vector<64x10000xf32>
    %swap3A = arith.constant 0 : index
    %swap3A_1 = arith.constant 0 : index
    %swap3A_2 = vector.load %arg2[%swap3A, %swap3A_1] : memref<64x10000xf32, #tpu.memory_space<vmem>>, vector<64x10000xf32>
    tpu.vector_store %arg2[%swap3A, %swap3A_1], %slice3A {strides = array<i32>} : memref<64x10000xf32, #tpu.memory_space<vmem>>, vector<64x10000xf32>,
    return
  }
  func.func @transform_0(%arg0: i32) -> i32 {
    %c0_i32 = arith.constant 0 : i32
    return %arg0 : i32
  }
  func.func @transform_1(%arg0: i32) -> (i32, i32) {
    %c0_i32 = arith.constant 0 : i32
    %c0_i32_0 = arith.constant 0 : i32
    return %arg0, %c0_i32 : i32, i32
  }
}

</mosaic_0001>

<sc_bundles>
// kernel: kernel.4.cloned.1.call-start
scs
__scs_entry_jumppad:
0x0: {  	(pc) =	sbr.rel $0x88, $3  }
0x1: {  	(tag) =	ssettag $0x0;
	lr =	simm.s32 $0x1  }
0x2: {  	[smem:$0x3F9E] =	sst lr;
	_ =	strace $0xD0000000  }
0x3: {  	_ = 	snop  }
0x4: {  	_ = 	snop  }
0x5: {  	_ = 	snop  }
0x6: {  	_ = 	snop  }
0x7: {  	_ = 	snop  }
__scs_overlays_trampoline_lowered:
0x8: {  	[smem:$0x3FAD] =	sst s0  }
0x9: {  	[smem:$0x3FAE] =	sst s1  }
0xa: {  	[smem:$0x3FAF] =	sst s2  }
0xb: {  	[smem:$0x3FB0] =	sst s3  }
0xc: {  	[smem:$0x3FB1] =	sst s4  }
0xd: {  	[smem:$0x3FB2] =	sst s5  }
0xe: {  	[smem:$0x3FB3] =	sst s6  }
0xf: {  	[smem:$0x3FB4] =	sst s7  }
0x10: {  	[smem:$0x3FB5] =	sst s8  }
0x11: {  	[smem:$0x3FB6] =	sst s9;
	s0 =	simm.s32 @!p0 $0x0  }
0x12: {  	s1 =	sld [smem:$0x3F9C];
	s0 =	simm.s32 @p0 $0x1  }
0x13: {  	[smem:$0x3FB7] =	sst s0;
	s0 =	simm.s32 @!p1 $0x0  }
0x14: {  	s2 =	sld [smem:$0x3F9B];
	s0 =	simm.s32 @p1 $0x1  }
0x15: {  	[smem:$0x3FB8] =	sst s0;
	s0 =	simm.s32 @!p2 $0x0  }
0x16: {  	s3 =	sld [smem:$0x3FDB];
	s0 =	simm.s32 @p2 $0x1  }
0x17: {  	s4 =	simm.s32 $0x1BF5;
	[smem:$0x3FBA] =	sst s0  }
0x18: {  	s0 =	sld [smem:$0x3F9D];
	_ =	swait.ge [sflag:s4], $0x0  }
0x19: {  	s7 =	sld [smem:$0x3F9E]  }
0x1a: {  	s8 =	sadd.s32 $0xFFFFE003, lr  }
0x1b: {  	s9 =	sadd.s32 $0xFFFFFEF7, lr;
	s5 =	simm.s32 $0xFFFFFFFF;
	p2 =	slt.u32 s8, $0xFFFFF086  }
0x1c: {  	p1 =	slt.u32 s9, $0xF7A;
	s5 =	simm.s32 @!p2 $0x0  }
0x1d: {  	s5 =	simm.s32 @p1 $0x1;
	p0 =	seq.s32 s7, s2  }
0x1e: {  	s7 =	smul.u32 @!p0 $0xF7A, s2;
	p2 =	seq.s32 @!p0 s5, $0x0  }
0x1f: {  	s9 =	smul.u32 $0xF7A, s1;
	s8 =	simm.s32 @!p0 $0x1BF5;
	p2 =	por !p2, p0  }
0x20: {  	[sflag:s8] =	ssyncset.s32 @!p0 $0xFFFFF086;
	s6 =	sadd.s32 @!p0 s3, s7;
	s7 =	simm.s32 @!p0 $0x108  }
0x21: {  	s3 =	sadd.s32 s3, s9;
	s6 =	sadd.s32 @!p0 $0x88, s6;
	s7 =	simm.s32 @p2 $0x1082  }
0x22: {  	[simem:s7], [sflag:s8] =	dma.local @!p0 [hbm:s6], $0xF7A  }
0x23: {  	s9 =	sor.u32 $0xD0000000, s2;
	s6 =	simm.s32 $0x108;
	_ =	swait.ge @!p0 [sflag:s8], $0x0  }
0x24: {  	s3 =	sadd.s32 $0x88, s3;
	s6 =	simm.s32 @!p1 $0x1082;
	[sflag:s4] =	ssyncset.s32 $0xFFFFF086  }
0x25: {  	[simem:s6], [sflag:s4] =	dma.local [hbm:s3], $0xF7A  }
0x26: {  	[smem:$0x3F9E] =	sst s1;
	(tag) =	ssettag s2;
	_ =	strace s9  }
0x27: {  	s1 =	sld [smem:$0x3FAE]  }
0x28: {  	s2 =	sld [smem:$0x3FAF]  }
0x29: {  	s4 =	sld [smem:$0x3FB1]  }
0x2a: {  	p0 =	seq.s32 s5, $0x0;
	s5 =	sld [smem:$0x3FB2]  }
0x2b: {  	s6 =	sld [smem:$0x3FB3]  }
0x2c: {  	s7 =	sld [smem:$0x3FB4]  }
0x2d: {  	s3 =	simm.s32 $0x108;
	s8 =	sld [smem:$0x3FB5]  }
0x2e: {  	s3 =	simm.s32 @!p0 $0x1082;
	s9 =	sld [smem:$0x3FB6]  }
0x2f: {  	lr =	sadd.s32 s0, s3;
	s0 =	sld [smem:$0x3FAD]  }
0x30: {  	s3 =	sld [smem:$0x3FB0]  }
0x31: {  	[smem:$0x3FB9] =	sst s10  }
0x32: {  	s10 =	sld [smem:$0x3FB7];
	_ =	sdelay $0x3  }
0x33: {  	p0 =	seq.s32 s10, $0x1;
	s10 =	sld [smem:$0x3FB9];
	_ =	sdelay $0x3  }
0x34: {  	[smem:$0x3FB9] =	sst s10  }
0x35: {  	s10 =	sld [smem:$0x3FB8];
	_ =	sdelay $0x3  }
0x36: {  	p1 =	seq.s32 s10, $0x1;
	s10 =	sld [smem:$0x3FB9];
	_ =	sdelay $0x3  }
0x37: {  	[smem:$0x3FB9] =	sst s10  }
0x38: {  	s10 =	sld [smem:$0x3FBA]  }
0x39: {  	_ = 	snop;
	(pc) =	sbr.ind lr, $3  }
0x3a: {  	_ = 	snop  }
0x3b: {  	_ = 	snop  }
0x3c: {  	p2 =	seq.s32 s10, $0x1;
	s10 =	sld [smem:$0x3FB9]  }
0x3d: {  	_ =	shalt  }
0x3e: {  	_ =	shalt  }
0x3f: {  	_ =	shalt  }
0x40: {  	_ =	shalt  }
0x41: {  	_ =	shalt  }
0x42: {  	_ =	shalt  }
0x43: {  	_ =	shalt  }
0x44: {  	_ =	shalt  }
0x45: {  	_ =	shalt  }
0x46: {  	_ =	shalt  }
0x47: {  	_ =	shalt  }
0x48: {  	_ =	shalt  }
0x49: {  	_ =	shalt  }
0x4a: {  	_ =	shalt  }
0x4b: {  	_ =	shalt  }
0x4c: {  	_ =	shalt  }
0x4d: {  	_ =	shalt  }
0x4e: {  	_ =	shalt  }
0x4f: {  	_ =	shalt  }
0x50: {  	_ =	shalt  }
0x51: {  	_ =	shalt  }
0x52: {  	_ =	shalt  }
0x53: {  	_ =	shalt  }
0x54: {  	_ =	shalt  }
0x55: {  	_ =	shalt  }
0x56: {  	_ =	shalt  }
0x57: {  	_ =	shalt  }
0x58: {  	_ =	shalt  }
0x59: {  	_ =	shalt  }
0x5a: {  	_ =	shalt  }
0x5b: {  	_ =	shalt  }
0x5c: {  	_ =	shalt  }
0x5d: {  	_ =	shalt  }
0x5e: {  	_ =	shalt  }
0x5f: {  	_ =	shalt  }
0x60: {  	_ =	shalt  }
0x61: {  	_ =	shalt  }
0x62: {  	_ =	shalt  }
0x63: {  	_ =	shalt  }
0x64: {  	_ =	shalt  }
0x65: {  	_ =	shalt  }
0x66: {  	_ =	shalt  }
0x67: {  	_ =	shalt  }
0x68: {  	_ =	shalt  }
0x69: {  	_ =	shalt  }
0x6a: {  	_ =	shalt  }
0x6b: {  	_ =	shalt  }
0x6c: {  	_ =	shalt  }
0x6d: {  	_ =	shalt  }
0x6e: {  	_ =	shalt  }
0x6f: {  	_ =	shalt  }
0x70: {  	_ =	shalt  }
0x71: {  	_ =	shalt  }
0x72: {  	_ =	shalt  }
0x73: {  	_ =	shalt  }
0x74: {  	_ =	shalt  }
0x75: {  	_ =	shalt  }
0x76: {  	_ =	shalt  }
0x77: {  	_ =	shalt  }
0x78: {  	_ =	shalt  }
0x79: {  	_ =	shalt  }
0x7a: {  	_ =	shalt  }
0x7b: {  	_ =	shalt  }
0x7c: {  	_ =	shalt  }
0x7d: {  	_ =	shalt  }
0x7e: {  	_ =	shalt  }
0x7f: {  	_ =	shalt  }
0x80: {  	_ =	shalt  }
0x81: {  	_ =	shalt  }
0x82: {  	_ =	shalt  }
0x83: {  	_ =	shalt  }
0x84: {  	_ =	shalt  }
0x85: {  	_ =	shalt  }
0x86: {  	_ =	shalt  }
0x87: {  	_ =	shalt  }
.Lfunc_end0:
.L_simem_size_0:
called_computation_lowered:
.L_overlay_start_0:
0x88: {  	s2 =	sld [smem:$0x3FD9]  }
0x89: {  	s3 =	sld [smem:$0x3FFE];
	_ =	sdelay $0x1  }
0x8a: {  	s1 =	srdreg.scid  }
0x8b: {  	s0 =	sand.u32 $0x1, s1  }
0x8c: {  	s17 =	sshll.u32 s0, $0xA;
	s2 =	sadd.s32 s3, s2  }
0x8d: {  	s2 =	sadd.s32 s2, s17  }
0x8e: {  	[smem:$0x3FC5] =	sst s2  }
0x8f: {  	_ = 	snop  }
0x90: {  	s2 =	sld [smem:$0x3FC9]  }
0x91: {  	s18 =	sld [smem:$0x3FC8]  }
0x92: {  	s4 =	sld [smem:$0x3FC7];
	(tm) =	ssettm $0x1  }
0x93: {  	s5 =	sld [smem:$0x3FFB];
	_ =	sdelay $0x3  }
0x94: {  	_ =	strace s5  }
0x95: {  	s5 =	sld [smem:$0x3FFC];
	_ =	sdelay $0x3  }
0x96: {  	_ =	strace s5  }
0x97: {  	s5 =	sld [smem:$0x3FFD];
	_ =	sdelay $0x3  }
0x98: {  	_ =	strace s5  }
0x99: {  	_ =	strace $0x8FFFFFFF  }
0x9a: {  	s19 =	sld [smem:$0x3FDB];
	_ =	sdelay $0x1  }
0x9b: {  	s6 =	simm.s32 $_scs_section_size  }
0x9c: {  	s7 =	simm.s32 $_size__tile_overlayer_lowered;
	s8 =	simm.s32 $_tile_overlayer_lowered  }
0x9d: {  	s22 =	simm.s32 $0x1BFF;
	s21 =	sshll.u32 s8, $0x1;
	s5 =	sadd.s32 s6, s19  }
0x9e: {  	s9 =	simm.s32 $0x0;
	s20 =	sshll.u32 s7, $0x1;
	s7 =	sadd.s32 s21, s5  }
0x9f: {  	[timem:s9], [sflag:s22] =	dma.local [hbm:s7], s20  }
0xa0: {  	_ =	swait.ge [sflag:s22], s20  }
0xa1: {  	s6 =	ssub.s32 $0x0, s20;
	[sflag:s22] =	ssyncset.done $0x0  }
0xa2: {  	[sflag:s22] =	ssyncadd.s32 s6;
	_ =	sdelay $0x1  }
0xa3: {  	s23 =	simm.s32 $0x1B8B  }
0xa4: {  	_ =	swait.ge [sflag:s23], $0x1  }
0xa5: {  	[sflag:s23] =	ssyncset.done $0x0  }
0xa6: {  	s25 =	simm.s32 $0x1B8E;
	s24 =	sld [smem:$0x3FFE];
	[sflag:s23] =	ssyncadd.s32 $0xFFFFFFFF  }
0xa7: {  	s26 =	simm.s32 $execute0_lowered;
	[smem:$0x3FD2] =	sst s25  }
0xa8: {  	s7 =	sshll.u32 s26, $0x1;
	_ =	strace $0x80000046;
	[dreg:$0x1] =	wrdreg $0xFFFFFFFF  }
0xa9: {  	s28 =	simm.s32 $_size_execute0_lowered;
	s5 =	sadd.s32 s5, s7;
	[dreg:$0x0] =	wrdreg $0x0  }
0xaa: {  	s7 =	sshll.u32 s28, $0x1;
	[dreg:$0x2] =	wrdreg s5  }
0xab: {  	[dreg:$0x3] =	wrdreg s7  }
0xac: {  	[dreg:$0x4] =	wrdreg $0xC0  }
0xad: {  	_ =	task [dreg:s9], $0x5FFFF  }
0xae: {  	[dreg:$0x1] =	wrdreg $0xFFFFFFFF  }
0xaf: {  	[dreg:$0x0] =	wrdreg $0x60  }
0xb0: {  	[dreg:$0x2] =	wrdreg s2  }
0xb1: {  	[dreg:$0x3] =	wrdreg s18  }
0xb2: {  	[dreg:$0x4] =	wrdreg s4  }
0xb3: {  	[dreg:$0x5] =	wrdreg s24  }
0xb4: {  	[dreg:$0x6] =	wrdreg $0x9  }
0xb5: {  	_ =	task.clear_ibuf [dreg:s9], $0x7FFFF;
	_ =	strace $0x90000046  }
0xb6: {  	s29 =	simm.s32 $0x9;
	_ =	strace $0x80000048  }
0xb7: {  	_ =	swait.ge [sflag:s29], $0x1  }
0xb8: {  	[sflag:s29] =	ssyncadd.s32 $0xFFFFFFFF  }
0xb9: {  	_ =	strace $0x90000048  }
0xba: {  	_ =	sfence  }
0xbb: {  	s30 =	sld [smem:$0x0];
	_ =	sdelay $0x2  }
0xbc: {  	s31 =	sshll.u32 s1, $0xD;
	s1 =	sshrl.u32 s1, $0x2  }
0xbd: {  	s3 =	sand.u32 $0x4000, s31;
	s1 =	sadd.s32 s1, s30  }
0xbe: {  	s0 =	sor.u32 s3, s0;
	s1 =	sshll.u32 s1, $0x11  }
0xbf: {  	s0 =	sor.u32 s1, s0  }
0xc0: {  	s0 =	sadd.s32 $0x8F2B, s0  }
0xc1: {  	[sflag:s0] =	ssyncadd.remote.s32 $0x1  }
0xc2: {  	_ =	sfence.sel $0xFFFF  }
0xc3: {  	[dreg:$0x0] =	wrdreg $0xFFFFFFFF;
	(pc) =	sbr.abs _section_cstart, $3  }
0xc4: {  	[dreg:$0x1] =	wrdreg $0xFFFFFFFF  }
0xc5: {  	_ =	task.clear_ibuf [dreg:s9], $0x2FFFF;
	_ =	strace $0x9FFFFFFF  }
0xc6: {  	(tm) =	ssettm $0x7FFFFFFF  }
0xc7: {  	_ =	shalt  }
tec
execute0_lowered:
.L_overlay_start_1:
0x0: {  	(tag) =	ssettag $0x1  }
0x1: {  	s1 =	rddreg [dreg:$0x0]  }
0x2: {  	s2 =	rddreg [dreg:$0x1]  }
0x3: {  	s3 =	rddreg [dreg:$0x2]  }
0x4: {  	s7 =	rddreg [dreg:$0x3]  }
0x5: {  	s4 =	srdreg.scid;
	s5 =	simm.s32 $0x0;
	s0 =	stileid.u32  }
0x6: {  	s11 =	simm.s32 $0xF780;
	s12 =	simm.s32 $0x7680;
	s13 =	simm.s32 $0x9700  }
0x7: {  	s14 =	simm.s32 $0xF800;
	s15 =	simm.s32 $0x1;
	s16 =	simm.s32 $0x2780  }
0x8: {  	s17 =	simm.s32 $0x4F00;
	s18 =	simm.s32 $0x0;
	s6 =	sand.u32 $0x1, s4  }
0x9: {  	[smem:$0x7FF] =	sst s5;
	s10 =	sshll.u32 s0, $0x8;
	s8 =	ssub.s32 $0x2, s6  }
0xa: {  	s7 =	sadd.s32 $0x400, s7;
	s6 =	sshll.u32 s6, $0x7;
	s9 =	sshrl.u32 s8, $0x1  }
0xb: {  	v0 =	vlaneseq.u32;
	_ =	strace $0x80000047;
	s6 =	sor.u32 s6, s10;
	s9 =	ssub.s32 s8, s9  }
0xc: {  	v2 =	vimm.s32 $0x0;
	v1 =	vadd.s32 $0x1, v0;
	s10 =	simm.s32 $0x2;
	s8 =	sadd.s32 $0x80, s6;
	s9 =	smax.u32 s9, $0x1  }
.LBB2_1:
0xd: {  	[tilespmem:s5], [sflag:$0x2] =	stream.linear.gather [hbm4b:s3+s5], $0x2780, $0x38;
	[tilespmem:$0x11F80] =	vst v63  }
0xe: {  	_ =	swait.ge [sflag:s10], $0x2780  }
0xf: {  	[sflag:s10] =	ssyncset.done $0x0  }
0x10: {  	s21 =	simm.s32 $0x0;
	[sflag:s10] =	ssyncadd.s32 $0xFFFFD880  }
0x11: {  	v3 =	vld [tilespmem:s21+$0x0];
	_ =	sdelay $0x3  }
0x12: {  	s22 =	simm.s32 $0x40;
	s20 =	simm.s32 $0x32000  }
.LBB2_2:
0x13: {  	s19 =	sshra.s32 s22, $0x2;
	p0 =	sne.s32 s22, $0x9C00;
	s22 =	sadd.s32 $0x40, s22;
	[tilespmem:s21+$0x4F00] =	vst v3  }
.Ltmp0:
0x14: {  	[tilespmem:s21+$0x2780] =	vst v3;
	v3 =	vld [tilespmem:s19+$0x0];
	s21 =	smov.u32 s19;
	(pc) =	sbr.rel @p0 .LBB2_2-.Ltmp0, $2  }
0x15: {  	_ =	sdelay $0x2  }
0x16: {  	s19 =	simm.s32 $0x0  }
0x17: {  	s22 =	simm.s32 $0x19000  }
0x18: {  	s23 =	sand.u32 $0xFFFFFFF8, s22  }
0x19: {  	p0 =	slt.s32 s23, $0x31FF0  }
0x1a: {  	s23 =	simm.s32 @!p0 $0x31FF0  }
0x1b: {  	[tilespmem:s21+$0x4F00] =	vst v3;
	s24 =	sshrl.u32 s23, $0x3;
	s23 =	ssub.s32 $0x19000, s23  }
0x1c: {  	[tilespmem:s21+$0x2780] =	vst v3;
	s30 =	sadd.s32 s2, s24;
	v3 =	vmov s23  }
0x1d: {  	[tilespmem:s11], [sflag:$0x2] =	stream.linear.gather [hbm4b:s30+s19], $0x10, $0x38;
	[tilespmem:$0x11F80] =	vst v63  }
0x1e: {  	_ =	swait.ge [sflag:s10], $0x10  }
0x1f: {  	[sflag:s10] =	ssyncset.done $0x0  }
0x20: {  	[sflag:s10] =	ssyncadd.s32 $0xFFFFFFF0  }
0x21: {  	v3 =	vld.idx.msk [tilespmem:v3+s11+$0x0], $0xffff;
	_ =	sdelay $0x4  }
0x22: {  	(v2sf) =	vpush v3, $0x0;
	_ =	sdelay $0xe  }
0x23: {  	s21 =	simm.s32 $0x0;
	s25 =	simm.s32 $0x32000;
	s31 =	spop (v2sf)  }
0x24: {  	s23 =	simm.s32 $0x11;
	s24 =	simm.s32 $0x19001;
	p1 =	slt.s32 s31, s6  }
.LBB2_4:
0x25: {  	p0 =	sne.s32 s23, $0x1;
	s21 =	smov.u32 @p1 s24;
	s22 =	smov.u32 @p1 s25  }
0x26: {  	s23 =	sadd.s32 $0xFFFFFFFF, s23;
	s24 =	sadd.s32 s21, s22  }
0x27: {  	s25 =	sshrl.u32 s24, $0x1F  }
0x28: {  	s24 =	sadd.s32 s25, s24  }
0x29: {  	s26 =	sshra.s32 s24, $0x1  }
0x2a: {  	s24 =	sand.u32 $0xFFFFFFF8, s26  }
0x2b: {  	p1 =	slt.s32 s24, $0x31FF0  }
0x2c: {  	s24 =	simm.s32 @!p1 $0x31FF0  }
0x2d: {  	s25 =	sshrl.u32 s24, $0x3;
	s24 =	ssub.s32 s26, s24  }
0x2e: {  	s25 =	sadd.s32 s2, s25;
	v3 =	vmov s24  }
0x2f: {  	[tilespmem:s11], [sflag:$0x2] =	stream.linear.gather [hbm4b:s25+s19], $0x10, $0x38;
	[tilespmem:$0x11F80] =	vst v63  }
0x30: {  	_ =	swait.ge [sflag:s10], $0x10  }
0x31: {  	[sflag:s10] =	ssyncset.done $0x0  }
0x32: {  	[sflag:s10] =	ssyncadd.s32 $0xFFFFFFF0  }
0x33: {  	v3 =	vld.idx.msk [tilespmem:v3+s11+$0x0], $0xffff;
	_ =	sdelay $0x5  }
0x34: {  	(v2sf) =	vpush v3, $0x0;
	_ =	sdelay $0xb  }
.Ltmp1:
0x35: {  	(pc) =	sbr.rel @p0 .LBB2_4-.Ltmp1, $3  }
0x36: {  	_ =	sdelay $0x1  }
0x37: {  	s25 =	smov.u32 s22;
	s24 =	spop (v2sf)  }
0x38: {  	s22 =	smov.u32 s26;
	p1 =	slt.s32 s24, s6;
	s24 =	sadd.s32 $0x1, s26  }
0x39: {  	s22 =	simm.s32 $0x19000  }
0x3a: {  	s23 =	sand.u32 $0xFFFFFFF8, s22  }
0x3b: {  	p0 =	slt.s32 s23, $0x31FF0  }
0x3c: {  	s23 =	simm.s32 @!p0 $0x31FF0  }
0x3d: {  	s25 =	sshrl.u32 s23, $0x3;
	s23 =	ssub.s32 $0x19000, s23  }
0x3e: {  	s25 =	sadd.s32 s2, s25;
	v3 =	vmov s23  }
0x3f: {  	[tilespmem:s11], [sflag:$0x2] =	stream.linear.gather [hbm4b:s25+s5], $0x10, $0x38;
	[tilespmem:$0x11F80] =	vst v63  }
0x40: {  	_ =	swait.ge [sflag:s10], $0x10  }
0x41: {  	[sflag:s10] =	ssyncset.done $0x0  }
0x42: {  	[sflag:s10] =	ssyncadd.s32 $0xFFFFFFF0  }
0x43: {  	v3 =	vld.idx.msk [tilespmem:v3+s11+$0x0], $0xffff;
	_ =	sdelay $0x4  }
0x44: {  	(v2sf) =	vpush v3, $0x0;
	_ =	sdelay $0xe  }
0x45: {  	s21 =	smov.u32 @p1 s24;
	s31 =	spop (v2sf)  }
0x46: {  	s24 =	simm.s32 $0x19001;
	s23 =	simm.s32 $0x11;
	p1 =	slt.s32 s31, s8  }
.LBB2_6:
0x47: {  	p0 =	sne.s32 s23, $0x1;
	s19 =	smov.u32 @p1 s24;
	s22 =	smov.u32 @p1 s20  }
0x48: {  	s23 =	sadd.s32 $0xFFFFFFFF, s23;
	s20 =	sadd.s32 s19, s22  }
0x49: {  	s24 =	sshrl.u32 s20, $0x1F  }
0x4a: {  	s20 =	sadd.s32 s24, s20  }
0x4b: {  	s25 =	sshra.s32 s20, $0x1  }
0x4c: {  	s20 =	sand.u32 $0xFFFFFFF8, s25  }
0x4d: {  	p1 =	slt.s32 s20, $0x31FF0  }
0x4e: {  	s20 =	simm.s32 @!p1 $0x31FF0  }
0x4f: {  	s24 =	sshrl.u32 s20, $0x3;
	s20 =	ssub.s32 s25, s20  }
0x50: {  	s24 =	sadd.s32 s2, s24;
	v3 =	vmov s20  }
0x51: {  	[tilespmem:s11], [sflag:$0x2] =	stream.linear.gather [hbm4b:s24+s5], $0x10, $0x38;
	[tilespmem:$0x11F80] =	vst v63  }
0x52: {  	_ =	swait.ge [sflag:s10], $0x10  }
0x53: {  	[sflag:s10] =	ssyncset.done $0x0  }
0x54: {  	[sflag:s10] =	ssyncadd.s32 $0xFFFFFFF0  }
0x55: {  	v3 =	vld.idx.msk [tilespmem:v3+s11+$0x0], $0xffff;
	_ =	sdelay $0x5  }
0x56: {  	(v2sf) =	vpush v3, $0x0;
	_ =	sdelay $0xb  }
.Ltmp2:
0x57: {  	(pc) =	sbr.rel @p0 .LBB2_6-.Ltmp2, $3  }
0x58: {  	_ =	sdelay $0x1  }
0x59: {  	s24 =	sadd.s32 $0x1, s25;
	s20 =	spop (v2sf)  }
0x5a: {  	p1 =	slt.s32 s20, s8;
	s20 =	smov.u32 s22;
	s22 =	smov.u32 s25  }
0x5b: {  	s20 =	sand.u32 $0xFFFFFFF8, s21  }
0x5c: {  	p0 =	sgt.s32 s20, $0x0  }
0x5d: {  	s20 =	simm.s32 @!p0 $0x0  }
0x5e: {  	s20 =	smin.u32 s20, $0x2FFF0  }
0x5f: {  	s23 =	sshrl.u32 s20, $0x3  }
0x60: {  	s22 =	simm.s32 $0x0;
	s25 =	sadd.s32 s1, s23  }
0x61: {  	[tilespmem:s12], [sflag:$0x2] =	stream.linear.gather [hbm4b:s25+s22], $0x2010, $0x38;
	[tilespmem:$0x11F80] =	vst v63  }
0x62: {  	_ =	swait.ge [sflag:s10], $0x2010  }
0x63: {  	[sflag:s10] =	ssyncset.done $0x0  }
0x64: {  	s23 =	sadd.s32 s2, s23;
	[sflag:s10] =	ssyncadd.s32 $0xFFFFDFF0  }
0x65: {  	[tilespmem:s13], [sflag:$0x2] =	stream.linear.gather [hbm4b:s23+s22], $0x2010, $0x38;
	[tilespmem:$0x11F80] =	vst v63  }
0x66: {  	_ =	swait.ge [sflag:s10], $0x2010  }
0x67: {  	[sflag:s10] =	ssyncset.done $0x0  }
0x68: {  	s19 =	smov.u32 @p1 s24;
	[sflag:s10] =	ssyncadd.s32 $0xFFFFDFF0  }
0x69: {  	[tilespmem:s14], [sflag:$0x1] =	stream.linear.gather [hbm4b:s7+s22], $0x2710, $0x38;
	[tilespmem:$0x11F80] =	vst v63  }
0x6a: {  	s24 =	ssub.s32 s21, s20;
	s21 =	simm.s32 $0x0;
	s23 =	simm.s32 $0x0  }
0x6b: {  	[tilespmem:s14], [sflag:$0x1] =	stream.linear.gather [hbm4b:s7+s22], $0x2710, $0x38;
	[tilespmem:$0x11F80] =	vst v63  }
.LBB2_8:
0x6c: {  	s25 =	sadd.s32 $0xFFFFFFFF, s23  }
0x6d: {  	p0 =	sgt.u32 s25, $0x1FF  }
.Ltmp3:
0x6e: {  	_ = 	snop;
	(pc) =	sbr.rel @p0 .LBB2_12-.Ltmp3, $4  }
0x6f: {  	_ = 	snop  }
0x70: {  	_ =	swait.ge [sflag:s15], $0x2710  }
0x71: {  	[sflag:s15] =	ssyncset.done $0x0  }
0x72: {  	s25 =	simm.s32 $0xB780;
	[sflag:s15] =	ssyncadd.s32 $0xFFFFD8F0  }
0x73: {  	p0 =	seq.s32 s23, $0x1  }
.Ltmp4:
0x74: {  	_ = 	snop;
	(pc) =	sbr.rel @p0 .LBB2_11-.Ltmp4, $2  }
0x75: {  	_ =	sdelay $0x2  }
0x76: {  	v3 =	vld [tilespmem:s25+$0x0];
	s23 =	sadd.s32 $0xFFFFFFFF, s23  }
.LBB2_10:
0x77: {  	p0 =	seq.s32 s23, $0x1;
	_ =	sdelay $0x6  }
0x78: {  	v4 =	vld.idx.msk [tilespmem:v3+s5+$0x0], $0xffff;
	_ =	sdelay $0x2  }
.Ltmp5:
0x79: {  	(pc) =	sbr.rel @!p0 .LBB2_10-.Ltmp5, $3  }
0x7a: {  	_ =	sdelay $0x1  }
0x7b: {  	s25 =	sadd.s32 $0x10, s25;
	[tilespmem:v3+s16+$0x0] =	vst.idx.msk $0xffff, v4  }
0x7c: {  	s23 =	sadd.s32 $0xFFFFFFFF, s23;
	v3 =	vld [tilespmem:s25+$0x0]  }
.LBB2_11:
0x7d: {  	_ =	sdelay $0x7  }
0x7e: {  	v4 =	vld.idx.msk [tilespmem:v3+s5+$0x0], $0xffff  }
.Ltmp6:
0x7f: {  	_ = 	snop;
	(pc) =	sbr.rel .LBB2_16-.Ltmp6, $2  }
0x80: {  	_ =	sdelay $0x2  }
0x81: {  	[tilespmem:v3+s16+$0x0] =	vst.idx.msk $0xffff, v4  }
.LBB2_12:
0x82: {  	p0 =	slt.s32 s23, $0x201  }
.Ltmp7:
0x83: {  	_ = 	snop;
	(pc) =	sbr.rel @p0 .LBB2_16-.Ltmp7, $2  }
0x84: {  	_ =	sdelay $0x2  }
0x85: {  	s25 =	simm.s32 $0x0  }
0x86: {  	s23 =	sshra.s32 s25, $0x2  }
0x87: {  	s25 =	sadd.s32 $0x40, s25;
	v3 =	vld [tilespmem:s23+$0x0]  }
.LBB2_14:
0x88: {  	p0 =	sne.s32 s25, $0x9C00  }
.Ltmp8:
0x89: {  	_ = 	snop;
	(pc) =	sbr.rel @p0 .LBB2_14-.Ltmp8, $3  }
0x8a: {  	_ =	sdelay $0x1  }
0x8b: {  	[tilespmem:s23+$0x2780] =	vst v3;
	s23 =	sshra.s32 s25, $0x2;
	s25 =	sadd.s32 $0x40, s25  }
0x8c: {  	v3 =	vld [tilespmem:s23+$0x0]  }
0x8d: {  	_ =	sdelay $0x3  }
0x8e: {  	[tilespmem:s23+$0x2780] =	vst v3  }
.LBB2_16:
0x8f: {  	s23 =	sshll.u32 s21, $0x1  }
0x90: {  	s25 =	sadd.s32 s6, s23  }
0x91: {  	s23 =	simm.s32 $0x0;
	v3 =	vmov s25  }
.LBB2_17:
0x92: {  	p0 =	sgt.s32 s20, $0x2FFEF  }
0x93: {  	p2 =	slt.s32 @!p0 s24, $0x1FF1  }
0x94: {  	p1 =	por p2, p0  }
0x95: {  	s28 =	sadd.s32 @!p1 s20, s24  }
0x96: {  	s29 =	sand.u32 @!p1 $0xFFFFFFF8, s28  }
0x97: {  	p3 =	sgt.s32 @!p1 s29, $0x0  }
0x98: {  	p3 =	por @!p0 !p3, p2  }
0x99: {  	p3 =	por !p3, p0  }
0x9a: {  	s29 =	simm.s32 @!p3 $0x0  }
0x9b: {  	s29 =	smin.u32 @!p1 s29, $0x2FFF0  }
0x9c: {  	s30 =	sshrl.u32 @!p1 s29, $0x3  }
0x9d: {  	s0 =	simm.s32 @!p1 $0x0;
	s4 =	simm.s32 @!p1 $0x7680;
	s31 =	sadd.s32 @!p1 s1, s30  }
0x9e: {  	[tilespmem:s4], [sflag:$0x2] =	stream.linear.gather @!p1 [hbm4b:s31+s0], $0x2010, $0x38;
	[tilespmem:$0x11F80] =	vst v63  }
0x9f: {  	s4 =	simm.s32 @!p1 $0x2  }
0xa0: {  	_ =	swait.ge @!p1 [sflag:s4], $0x2010  }
0xa1: {  	[sflag:s4] =	ssyncset.done @!p1 $0x0  }
0xa2: {  	s30 =	sadd.s32 @!p1 s2, s30;
	s31 =	simm.s32 @!p1 $0x9700;
	[sflag:s4] =	ssyncadd.s32 @!p1 $0xFFFFDFF0  }
0xa3: {  	[tilespmem:s31], [sflag:$0x2] =	stream.linear.gather @!p1 [hbm4b:s30+s0], $0x2010, $0x38;
	[tilespmem:$0x11F80] =	vst v63  }
0xa4: {  	p2 =	por !p2, p0;
	s0 =	ssub.s32 @!p1 s28, s29;
	s28 =	smov.u32 s24  }
0xa5: {  	s26 =	smov.u32 s20;
	_ =	swait.ge @!p1 [sflag:s4], $0x2010;
	s28 =	smov.u32 @p2 s0  }
0xa6: {  	s20 =	smov.u32 @p2 s29;
	[sflag:s4] =	ssyncset.done @!p1 $0x0;
	s28 =	smov.u32 @p0 s24  }
0xa7: {  	s20 =	smov.u32 @p0 s26;
	[sflag:s4] =	ssyncadd.s32 @!p1 $0xFFFFDFF0;
	s30 =	sand.u32 $0xFFFFFFF8, s28  }
0xa8: {  	s31 =	sadd.s32 s28, s20;
	v4 =	vld [tilespmem:s30+$0x9700]  }
0xa9: {  	s24 =	sand.u32 $0x7, s28;
	s4 =	ssub.s32 s19, s31  }
0xaa: {  	s4 =	sadd.s32 s24, s4  }
0xab: {  	v5 =	vmov s24;
	v6 =	vmov s4  }
0xac: {  	vm0 =	vlt.u32 v5, v1;
	vm1 =	vgt.s32 v6, v0  }
0xad: {  	vm0 =	vmand vm0, vm1;
	vm2 =	veq.s32 v4, v3  }
0xae: {  	vm0 =	vmand vm2, vm0  }
0xaf: {  	v4 =	vsel vm0, $0x1, v2  }
0xb0: {  	(xrf0) =	vadd.scan.msk.s32 $0xffff, v4;
	_ =	sdelay $0x5  }
0xb1: {  	v4, _, _ =	vpop (xrf0)  }
0xb2: {  	(v2sf) =	vpush v4, $0xF;
	_ =	sdelay $0x6  }
0xb3: {  	v4 =	vld [tilespmem:s30+$0x7680];
	_ =	sdelay $0x7  }
0xb4: {  	p0 =	sgt.s32 s23, $0x1FF;
	v5 =	vld.idx.msk [tilespmem:v4+s5+$0x0], $0xffff;
	s0 =	spop (v2sf)  }
0xb5: {  	s26 =	simm.s32 $0x1;
	p1 =	slt.s32 @!p0 s0, $0x1  }
0xb6: {  	s24 =	ssub.s32 $0x10, s24;
	p0 =	por p1, p0;
	p1 =	sgt.s32 s0, $0x0  }
0xb7: {  	s26 =	simm.s32 @!p1 $0x0;
	p1 =	sge.s32 s0, s24  }
.Ltmp9:
0xb8: {  	_ = 	snop;
	(pc) =	sbr.rel @p1 .LBB2_17-.Ltmp9, $4  }
0xb9: {  	v5 =	vadd.f32 $1.000000000e+00, v5  }
0xba: {  	s4 =	sshll.u32 @!p0 s23, $0x6  }
0xbb: {  	[tilespmem:v4+s16+$0x0] =	vst.idx.msk vm0, v5;
	s4 =	sshra.s32 @!p0 s4, $0x2  }
0xbc: {  	s24 =	sadd.s32 s28, s0;
	s23 =	sadd.s32 s26, s23;
	[tilespmem:s4+$0xB780] =	vst @!p0 v4  }
0xbd: {  	s0 =	smul.u32 $0x500, s25;
	s31 =	sadd.s32 $0xFFFFFFFF, s22  }
0xbe: {  	p0 =	sgt.u32 s31, $0x1FF  }
.Ltmp10:
0xbf: {  	s0 =	sadd.s32 s7, s0;
	(pc) =	sbr.rel @p0 .LBB2_22-.Ltmp10, $4  }
0xc0: {  	[hbm4b:s0+s5] =	stream.linear.scatter [tilespmem:s16], [sflag:$0x1], $0x2710, $0x38;
	[tilespmem:$0x11F80] =	vst v63  }
0xc1: {  	_ =	swait.ge [sflag:s15], $0x2710  }
0xc2: {  	[sflag:s15] =	ssyncset.done $0x0  }
0xc3: {  	s26 =	simm.s32 $0xD780;
	[sflag:s15] =	ssyncadd.s32 $0xFFFFD8F0  }
0xc4: {  	p0 =	seq.s32 s22, $0x1  }
.Ltmp11:
0xc5: {  	_ = 	snop;
	(pc) =	sbr.rel @p0 .LBB2_21-.Ltmp11, $2  }
0xc6: {  	_ =	sdelay $0x2  }
0xc7: {  	v3 =	vld [tilespmem:s26+$0x0];
	s22 =	sadd.s32 $0xFFFFFFFF, s22  }
.LBB2_20:
0xc8: {  	p0 =	seq.s32 s22, $0x1;
	_ =	sdelay $0x6  }
0xc9: {  	v4 =	vld.idx.msk [tilespmem:v3+s5+$0x0], $0xffff;
	_ =	sdelay $0x2  }
.Ltmp12:
0xca: {  	(pc) =	sbr.rel @!p0 .LBB2_20-.Ltmp12, $3  }
0xcb: {  	_ =	sdelay $0x1  }
0xcc: {  	s26 =	sadd.s32 $0x10, s26;
	[tilespmem:v3+s17+$0x0] =	vst.idx.msk $0xffff, v4  }
0xcd: {  	s22 =	sadd.s32 $0xFFFFFFFF, s22;
	v3 =	vld [tilespmem:s26+$0x0]  }
.LBB2_21:
0xce: {  	_ =	sdelay $0x7  }
0xcf: {  	v4 =	vld.idx.msk [tilespmem:v3+s5+$0x0], $0xffff  }
.Ltmp13:
0xd0: {  	_ = 	snop;
	(pc) =	sbr.rel .LBB2_26-.Ltmp13, $2  }
0xd1: {  	_ =	sdelay $0x2  }
0xd2: {  	[tilespmem:v3+s17+$0x0] =	vst.idx.msk $0xffff, v4  }
.LBB2_22:
0xd3: {  	p0 =	slt.s32 s22, $0x201  }
.Ltmp14:
0xd4: {  	_ = 	snop;
	(pc) =	sbr.rel @p0 .LBB2_26-.Ltmp14, $2  }
0xd5: {  	_ =	sdelay $0x2  }
0xd6: {  	s26 =	simm.s32 $0x0  }
0xd7: {  	s22 =	sshra.s32 s26, $0x2  }
0xd8: {  	s26 =	sadd.s32 $0x40, s26;
	v3 =	vld [tilespmem:s22+$0x0]  }
.LBB2_24:
0xd9: {  	p0 =	sne.s32 s26, $0x9C00  }
.Ltmp15:
0xda: {  	_ = 	snop;
	(pc) =	sbr.rel @p0 .LBB2_24-.Ltmp15, $3  }
0xdb: {  	_ =	sdelay $0x1  }
0xdc: {  	[tilespmem:s22+$0x4F00] =	vst v3;
	s22 =	sshra.s32 s26, $0x2;
	s26 =	sadd.s32 $0x40, s26  }
0xdd: {  	v3 =	vld [tilespmem:s22+$0x0]  }
0xde: {  	_ =	sdelay $0x3  }
0xdf: {  	[tilespmem:s22+$0x4F00] =	vst v3  }
.LBB2_26:
0xe0: {  	s25 =	sor.u32 $0x1, s25  }
0xe1: {  	s22 =	simm.s32 $0x0;
	v3 =	vmov s25  }
.LBB2_27:
0xe2: {  	p0 =	sgt.s32 s20, $0x2FFEF  }
0xe3: {  	p2 =	slt.s32 @!p0 s24, $0x1FF1  }
0xe4: {  	p1 =	por p2, p0  }
0xe5: {  	s4 =	sadd.s32 @!p1 s20, s24  }
0xe6: {  	s26 =	sand.u32 @!p1 $0xFFFFFFF8, s4  }
0xe7: {  	p3 =	sgt.s32 @!p1 s26, $0x0  }
0xe8: {  	p3 =	por @!p0 !p3, p2  }
0xe9: {  	p3 =	por !p3, p0  }
0xea: {  	s26 =	simm.s32 @!p3 $0x0  }
0xeb: {  	s26 =	smin.u32 @!p1 s26, $0x2FFF0  }
0xec: {  	s28 =	sshrl.u32 @!p1 s26, $0x3  }
0xed: {  	s30 =	simm.s32 @!p1 $0x0;
	s31 =	simm.s32 @!p1 $0x7680;
	s29 =	sadd.s32 @!p1 s1, s28  }
0xee: {  	[tilespmem:s31], [sflag:$0x2] =	stream.linear.gather @!p1 [hbm4b:s29+s30], $0x2010, $0x38;
	[tilespmem:$0x11F80] =	vst v63  }
0xef: {  	s29 =	simm.s32 @!p1 $0x2  }
0xf0: {  	_ =	swait.ge @!p1 [sflag:s29], $0x2010  }
0xf1: {  	[sflag:s29] =	ssyncset.done @!p1 $0x0  }
0xf2: {  	s28 =	sadd.s32 @!p1 s2, s28;
	s31 =	simm.s32 @!p1 $0x9700;
	[sflag:s29] =	ssyncadd.s32 @!p1 $0xFFFFDFF0  }
0xf3: {  	[tilespmem:s31], [sflag:$0x2] =	stream.linear.gather @!p1 [hbm4b:s28+s30], $0x2010, $0x38;
	[tilespmem:$0x11F80] =	vst v63  }
0xf4: {  	p2 =	por !p2, p0;
	s4 =	ssub.s32 @!p1 s4, s26;
	s28 =	smov.u32 s24  }
0xf5: {  	s0 =	smov.u32 s20;
	_ =	swait.ge @!p1 [sflag:s29], $0x2010;
	s28 =	smov.u32 @p2 s4  }
0xf6: {  	s20 =	smov.u32 @p2 s26;
	[sflag:s29] =	ssyncset.done @!p1 $0x0;
	s28 =	smov.u32 @p0 s24  }
0xf7: {  	s20 =	smov.u32 @p0 s0;
	[sflag:s29] =	ssyncadd.s32 @!p1 $0xFFFFDFF0;
	s30 =	sand.u32 $0xFFFFFFF8, s28  }
0xf8: {  	s31 =	sadd.s32 s28, s20;
	v4 =	vld [tilespmem:s30+$0x9700]  }
0xf9: {  	s24 =	sand.u32 $0x7, s28;
	s4 =	ssub.s32 s19, s31  }
0xfa: {  	s4 =	sadd.s32 s24, s4  }
0xfb: {  	v5 =	vmov s24;
	v6 =	vmov s4  }
0xfc: {  	vm0 =	vlt.u32 v5, v1;
	vm1 =	vgt.s32 v6, v0  }
0xfd: {  	vm0 =	vmand vm0, vm1;
	vm2 =	veq.s32 v4, v3  }
0xfe: {  	vm0 =	vmand vm2, vm0  }
0xff: {  	v4 =	vsel vm0, $0x1, v2  }
0x100: {  	(xrf0) =	vadd.scan.msk.s32 $0xffff, v4;
	_ =	sdelay $0x5  }
0x101: {  	v4, _, _ =	vpop (xrf0)  }
0x102: {  	(v2sf) =	vpush v4, $0xF;
	_ =	sdelay $0x6  }
0x103: {  	v4 =	vld [tilespmem:s30+$0x7680];
	_ =	sdelay $0x7  }
0x104: {  	p0 =	sgt.s32 s22, $0x1FF;
	v5 =	vld.idx.msk [tilespmem:v4+s5+$0x0], $0xffff;
	s0 =	spop (v2sf)  }
0x105: {  	s26 =	simm.s32 $0x1;
	p1 =	slt.s32 @!p0 s0, $0x1  }
0x106: {  	s24 =	ssub.s32 $0x10, s24;
	p0 =	por p1, p0;
	p1 =	sgt.s32 s0, $0x0  }
0x107: {  	s26 =	simm.s32 @!p1 $0x0;
	p1 =	sge.s32 s0, s24  }
.Ltmp16:
0x108: {  	_ = 	snop;
	(pc) =	sbr.rel @p1 .LBB2_27-.Ltmp16, $4  }
0x109: {  	v5 =	vadd.f32 $1.000000000e+00, v5  }
0x10a: {  	s4 =	sshll.u32 @!p0 s22, $0x6  }
0x10b: {  	[tilespmem:v4+s17+$0x0] =	vst.idx.msk vm0, v5;
	s4 =	sshra.s32 @!p0 s4, $0x2  }
0x10c: {  	s24 =	sadd.s32 s28, s0;
	s22 =	sadd.s32 s26, s22;
	[tilespmem:s4+$0xD780] =	vst @!p0 v4  }
0x10d: {  	s21 =	sadd.s32 $0x1, s21  }
0x10e: {  	p0 =	sne.s32 s21, $0x40  }
.Ltmp17:
0x10f: {  	_ = 	snop;
	(pc) =	sbr.rel @p0 .LBB2_8-.Ltmp17, $3  }
0x110: {  	s0 =	smul.u32 $0x500, s25;
	_ =	sdelay $0x1  }
0x111: {  	s0 =	sadd.s32 s7, s0  }
0x112: {  	[hbm4b:s0+s5] =	stream.linear.scatter [tilespmem:s17], [sflag:$0x1], $0x2710, $0x38;
	[tilespmem:$0x11F80] =	vst v63  }
0x113: {  	s18 =	sadd.s32 $0x1, s18  }
0x114: {  	_ =	swait.ge [sflag:s15], $0x2710;
	p0 =	sne.s32 s18, s9  }
.Ltmp18:
0x115: {  	[sflag:s15] =	ssyncset.done $0x0;
	(pc) =	sbr.rel @p0 .LBB2_1-.Ltmp18, $4  }
0x116: {  	[sflag:s15] =	ssyncadd.s32 $0xFFFFD8F0  }
0x117: {  	_ =	swait.ge [sflag:s15], $0x2710  }
0x118: {  	[sflag:s15] =	ssyncset.done $0x0  }
0x119: {  	[sflag:s15] =	ssyncadd.s32 $0xFFFFD8F0  }
0x11a: {  	_ =	sfence.sel $0x180000  }
0x11b: {  	[bflag:$0x0] =	sbarrier.arrive $0xFFFF  }
0x11c: {  	_ =	strace $0x90000047  }
0x11d: {  	s0 =	stileid.u32;
	[bflag:$0x2] =	sbarrier.arrive $0xFFFF  }
0x11e: {  	p0 =	sne.s32 s0, $0x0;
	s0 =	rddreg [dreg:$0x4]  }
0x11f: {  	s0 =	sadd.s32 @!p0 $0x100000, s0  }
0x120: {  	[sflag:s0] =	ssyncadd.tile.s32 @!p0 $0x1;
	_ =	shalt  }
.Lfunc_end2:
_tile_overlayer_lowered:
.L_overlay_start_2:
0x121: {  	(tag) =	ssettag $0x2  }
0x122: {  	s0 =	rddreg [dreg:$0x0];
	s2 =	stileid.u32  }
0x123: {  	s1 =	rddreg [dreg:$0x1];
	p0 =	sne.s32 s2, $0x0  }
0x124: {  	s3 =	rddreg [dreg:$0x2];
	[bflag:$0x3] =	sbarrier.arrive $0xFFFF;
	s2 =	simm.s32 @!p0 $0x1C02  }
0x125: {  	[timem:s3], [sflag:s2] =	dma.local @!p0 [hbm:s0], s1  }
0x126: {  	s0 =	simm.s32 @!p0 $0x2  }
0x127: {  	_ =	swait.ge @!p0 [sflag:s0], s1  }
0x128: {  	s1 =	ssub.s32 @!p0 $0x0, s1;
	[sflag:s0] =	ssyncset.done @!p0 $0x0  }
0x129: {  	[sflag:s0] =	ssyncadd.s32 @!p0 s1  }
0x12a: {  	[bflag:$0x3] =	sbarrier.arrive $0xFFFF  }
0x12b: {  	_ =	shalt  }

</sc_bundles>
